<compile_context>
chip_gen: v7x
topology: tpu7x:2x2x1
jax: 0.10.2.dev20260603
libtpu: 0.0.44.dev20260713+nightly
codegen_flags: <defaults>
</compile_context>

<pallas_src>
import functools

import jax
import jax.numpy as jnp
from jax import lax
from jax.experimental import pallas as pl
from jax.experimental.pallas import tpu as pltpu
from jax.experimental.pallas import tpu_sc as plsc

_NUM_CLASSES = 1000
_EMBED_DIM = 128
_BATCH = 16384

_info = plsc.get_sparse_core_info()
_NC = _info.num_cores
_NS = _info.num_subcores
_NW = _NC * _NS
_B_PER_W = _BATCH // _NW
_CH = 64
_NCH = _B_PER_W // _CH

_mesh = plsc.VectorSubcoreMesh(core_axis_name="c", subcore_axis_name="s")


@functools.partial(
    pl.kernel,
    mesh=_mesh,
    out_type=jax.ShapeDtypeStruct((_NW, _NCH, _CH, _EMBED_DIM), jnp.float32),
    scratch_types=[
        pltpu.VMEM((_NCH, _CH), jnp.int32),
        pltpu.VMEM((_NCH, _CH, _EMBED_DIM), jnp.float32),
        pltpu.SemaphoreType.DMA((_NCH,)),
        pltpu.SemaphoreType.DMA,
    ],
)
def _embed_sc(y_hbm, table_hbm, out_hbm, idx_v, rows_v, gsems, wsem):
    wid = lax.axis_index("s") * _NC + lax.axis_index("c")
    pltpu.sync_copy(y_hbm.at[wid], idx_v)
    gathers = [
        pltpu.async_copy(table_hbm.at[idx_v.at[j]], rows_v.at[j], gsems.at[j])
        for j in range(_NCH)
    ]
    writes = []
    for j in range(_NCH):
        gathers[j].wait()
        writes.append(pltpu.async_copy(rows_v.at[j], out_hbm.at[wid, j], wsem))
    for c in writes:
        c.wait()


def kernel(y, table):
    y_blocked = y.astype(jnp.int32).reshape(_NW, _NCH, _CH)
    out = _embed_sc(y_blocked, table)
    return out.reshape(_BATCH, _EMBED_DIM)

# --- scband reference (transcript-rebuilt; emitter-appended) ---
"""Pipeline reference for scband-label-embed-68667937128671 (READ-ONLY COPY).

The authoritative reference and input builder live on the scoring server;
editing this copy changes nothing except your own understanding.
"""

import jax, jax.numpy as jnp
import numpy as np

NUM_CLASSES = 1000
EMBED_DIM = 128
BATCH = 16384

def setup_inputs(seed: int = 0) -> dict:
    key = jax.random.key(seed)
    k_y, k_tab = jax.random.split(key)
    y = jax.random.randint(k_y, (BATCH,), 0, NUM_CLASSES + 1, dtype=jnp.int64 if jax.config.read('jax_enable_x64') else jnp.int32)
    # Embedding table has num_classes + 1 rows (extra row for the null/unconditional class).
    table = jax.random.normal(k_tab, (NUM_CLASSES + 1, EMBED_DIM), dtype=jnp.float32) * 0.02
    return {"y": y, "table": table}

def reference(y, table):
    # Faithful translation of LabelEmbed.__call__: nn.Embed lookup -> table[y]
    return jnp.take(table, y, axis=0)

if __name__ == "__main__":
    import jax
    _d = setup_inputs()
    print(jax.jit(kernel)(*tuple(_d.values())))

</pallas_src>

<mosaic_0001>
#map = affine_map<(d0, d1) -> (0, 0, 0)>
#map1 = affine_map<(d0, d1) -> (0, 0)>
#map2 = affine_map<(d0, d1) -> (0, 0, 0, 0)>
module attributes {stable_mosaic.version = 14 : i64} {
  func.func @_embed_sc(%arg0: i32, %arg1: i32, %arg2: memref<32x8x64xi32, #tpu.memory_space<hbm>>, %arg3: memref<1001x128xf32, #tpu.memory_space<hbm>>, %arg4: memref<32x8x64x128xf32, #tpu.memory_space<hbm>>, %arg5: memref<8x64xi32, #tpu.memory_space<vmem>>, %arg6: memref<8x64x128xf32, #tpu.memory_space<vmem>>, %arg7: memref<8x!tpu.dma_semaphore, #tpu.memory_space<semaphore_mem>>, %arg8: memref<!tpu.dma_semaphore, #tpu.memory_space<semaphore_mem>>) attributes {dimension_semantics = [#tpu.dimension_semantics<core_parallel>, #tpu.dimension_semantics<subcore_parallel>], iteration_bounds = array<i64: 2, 16>, scalar_prefetch = 0 : i64, scratch_operands = 4 : i64, tpu.core_type = #tpu.core_type<sc_vector_subcore>, window_params = [{transform_indices = #map}, {transform_indices = #map1}, {transform_indices = #map2}]} {
    %mul3A = arith.constant 2 : i32
    %mul3A_0 = arith.muli %arg1, %mul3A : i32
    %add3A = arith.addi %mul3A_0, %arg0 : i32
    "tpu.region"() ({
      %run_scoped3A = tpu.sem_alloc : memref<!tpu.dma_semaphore, #tpu.memory_space<semaphore_mem>>
      %dma_start3A_527 = arith.constant 0 : i32
      %dma_start3A_528 = arith.constant 0 : i32
      %dma_start3A_529 = tpu.memref_slice %arg2[%add3A, %dma_start3A_527, %dma_start3A_528] : memref<32x8x64xi32, #tpu.memory_space<hbm>> -> memref<1x8x64xi32, #tpu.memory_space<hbm>>
      %dma_start3A_530 = tpu.memref_squeeze %dma_start3A_529 : memref<1x8x64xi32, #tpu.memory_space<hbm>> -> memref<8x64xi32, #tpu.memory_space<hbm>>
      %dma_start3A_531 = arith.constant 0 : i32
      %dma_start3A_532 = arith.constant 0 : i32
      %dma_start3A_533 = tpu.memref_slice %arg2[%add3A, %dma_start3A_531, %dma_start3A_532] : memref<32x8x64xi32, #tpu.memory_space<hbm>> -> memref<1x8x64xi32, #tpu.memory_space<hbm>>
      %dma_start3A_534 = tpu.memref_squeeze %dma_start3A_533 : memref<1x8x64xi32, #tpu.memory_space<hbm>> -> memref<8x64xi32, #tpu.memory_space<hbm>>
      tpu.enqueue_dma source(%dma_start3A_534 : memref<8x64xi32, #tpu.memory_space<hbm>>) target(%arg5 : memref<8x64xi32, #tpu.memory_space<vmem>>) target_semaphore(%run_scoped3A : memref<!tpu.dma_semaphore, #tpu.memory_space<semaphore_mem>>)
      %dma_wait3A_535 = arith.constant 0 : i32
      %dma_wait3A_536 = arith.constant 0 : i32
      %dma_wait3A_537 = tpu.memref_slice %arg2[%add3A, %dma_wait3A_535, %dma_wait3A_536] : memref<32x8x64xi32, #tpu.memory_space<hbm>> -> memref<1x8x64xi32, #tpu.memory_space<hbm>>
      %dma_wait3A_538 = tpu.memref_squeeze %dma_wait3A_537 : memref<1x8x64xi32, #tpu.memory_space<hbm>> -> memref<8x64xi32, #tpu.memory_space<hbm>>
      %dma_wait3A_539 = arith.constant 0 : i32
      %dma_wait3A_540 = arith.constant 0 : i32
      %dma_wait3A_541 = tpu.memref_slice %arg2[%add3A, %dma_wait3A_539, %dma_wait3A_540] : memref<32x8x64xi32, #tpu.memory_space<hbm>> -> memref<1x8x64xi32, #tpu.memory_space<hbm>>
      %dma_wait3A_542 = tpu.memref_squeeze %dma_wait3A_541 : memref<1x8x64xi32, #tpu.memory_space<hbm>> -> memref<8x64xi32, #tpu.memory_space<hbm>>
      tpu.wait_dma2 semaphore(%run_scoped3A : memref<!tpu.dma_semaphore, #tpu.memory_space<semaphore_mem>>) src(%dma_wait3A_542 : memref<8x64xi32, #tpu.memory_space<hbm>>) dst(%arg5 : memref<8x64xi32, #tpu.memory_space<vmem>>)
      tpu.yield
    }) : () -> ()
    %dma_start3A = arith.constant 0 : i32
    %dma_start3A_1 = arith.constant 0 : i32
    %dma_start3A_2 = arith.constant 0 : i32
    %dma_start3A_3 = arith.constant 0 : i32
    %dma_start3A_4 = arith.constant 0 : i32
    %dma_start3A_5 = tpu.memref_slice %arg6[%dma_start3A_1, %dma_start3A_3, %dma_start3A_4] : memref<8x64x128xf32, #tpu.memory_space<vmem>> -> memref<1x64x128xf32, #tpu.memory_space<vmem>>
    %dma_start3A_6 = tpu.memref_squeeze %dma_start3A_5 : memref<1x64x128xf32, #tpu.memory_space<vmem>> -> memref<64x128xf32, #tpu.memory_space<vmem>>
    %dma_start3A_7 = arith.constant 0 : i32
    %dma_start3A_8 = tpu.memref_slice %arg5[%dma_start3A, %dma_start3A_7] : memref<8x64xi32, #tpu.memory_space<vmem>> -> memref<1x64xi32, #tpu.memory_space<vmem>>
    %dma_start3A_9 = tpu.memref_squeeze %dma_start3A_8 : memref<1x64xi32, #tpu.memory_space<vmem>> -> memref<64xi32, #tpu.memory_space<vmem>>
    %dma_start3A_10 = arith.constant 0 : i32
    %dma_start3A_11 = arith.constant 0 : i32
    %dma_start3A_12 = tpu.memref_slice %arg3[%dma_start3A_10, %dma_start3A_11] : memref<1001x128xf32, #tpu.memory_space<hbm>> -> memref<1001x128xf32, #tpu.memory_space<hbm>>
    %dma_start3A_13 = tpu.memref_slice %arg7[%dma_start3A_2] : memref<8x!tpu.dma_semaphore, #tpu.memory_space<semaphore_mem>> -> memref<1x!tpu.dma_semaphore, #tpu.memory_space<semaphore_mem>>
    %dma_start3A_14 = tpu.memref_squeeze %dma_start3A_13 : memref<1x!tpu.dma_semaphore, #tpu.memory_space<semaphore_mem>> -> memref<!tpu.dma_semaphore, #tpu.memory_space<semaphore_mem>>
    tpu.enqueue_indirect_dma source(%dma_start3A_12 : memref<1001x128xf32, #tpu.memory_space<hbm>>) target(%dma_start3A_6 : memref<64x128xf32, #tpu.memory_space<vmem>>) offsets(%dma_start3A_9 : memref<64xi32, #tpu.memory_space<vmem>>) semaphore(%dma_start3A_14 : memref<!tpu.dma_semaphore, #tpu.memory_space<semaphore_mem>>)
    %dma_start3A_15 = arith.constant 1 : i32
    %dma_start3A_16 = arith.constant 1 : i32
    %dma_start3A_17 = arith.constant 1 : i32
    %dma_start3A_18 = arith.constant 0 : i32
    %dma_start3A_19 = arith.constant 0 : i32
    %dma_start3A_20 = tpu.memref_slice %arg6[%dma_start3A_16, %dma_start3A_18, %dma_start3A_19] : memref<8x64x128xf32, #tpu.memory_space<vmem>> -> memref<1x64x128xf32, #tpu.memory_space<vmem>>
    %dma_start3A_21 = tpu.memref_squeeze %dma_start3A_20 : memref<1x64x128xf32, #tpu.memory_space<vmem>> -> memref<64x128xf32, #tpu.memory_space<vmem>>
    %dma_start3A_22 = arith.constant 0 : i32
    %dma_start3A_23 = tpu.memref_slice %arg5[%dma_start3A_15, %dma_start3A_22] : memref<8x64xi32, #tpu.memory_space<vmem>> -> memref<1x64xi32, #tpu.memory_space<vmem>>
    %dma_start3A_24 = tpu.memref_squeeze %dma_start3A_23 : memref<1x64xi32, #tpu.memory_space<vmem>> -> memref<64xi32, #tpu.memory_space<vmem>>
    %dma_start3A_25 = arith.constant 0 : i32
    %dma_start3A_26 = arith.constant 0 : i32
    %dma_start3A_27 = tpu.memref_slice %arg3[%dma_start3A_25, %dma_start3A_26] : memref<1001x128xf32, #tpu.memory_space<hbm>> -> memref<1001x128xf32, #tpu.memory_space<hbm>>
    %dma_start3A_28 = tpu.memref_slice %arg7[%dma_start3A_17] : memref<8x!tpu.dma_semaphore, #tpu.memory_space<semaphore_mem>> -> memref<1x!tpu.dma_semaphore, #tpu.memory_space<semaphore_mem>>
    %dma_start3A_29 = tpu.memref_squeeze %dma_start3A_28 : memref<1x!tpu.dma_semaphore, #tpu.memory_space<semaphore_mem>> -> memref<!tpu.dma_semaphore, #tpu.memory_space<semaphore_mem>>
    tpu.enqueue_indirect_dma source(%dma_start3A_27 : memref<1001x128xf32, #tpu.memory_space<hbm>>) target(%dma_start3A_21 : memref<64x128xf32, #tpu.memory_space<vmem>>) offsets(%dma_start3A_24 : memref<64xi32, #tpu.memory_space<vmem>>) semaphore(%dma_start3A_29 : memref<!tpu.dma_semaphore, #tpu.memory_space<semaphore_mem>>)
    %dma_start3A_30 = arith.constant 2 : i32
    %dma_start3A_31 = arith.constant 2 : i32
    %dma_start3A_32 = arith.constant 2 : i32
    %dma_start3A_33 = arith.constant 0 : i32
    %dma_start3A_34 = arith.constant 0 : i32
    %dma_start3A_35 = tpu.memref_slice %arg6[%dma_start3A_31, %dma_start3A_33, %dma_start3A_34] : memref<8x64x128xf32, #tpu.memory_space<vmem>> -> memref<1x64x128xf32, #tpu.memory_space<vmem>>
    %dma_start3A_36 = tpu.memref_squeeze %dma_start3A_35 : memref<1x64x128xf32, #tpu.memory_space<vmem>> -> memref<64x128xf32, #tpu.memory_space<vmem>>
    %dma_start3A_37 = arith.constant 0 : i32
    %dma_start3A_38 = tpu.memref_slice %arg5[%dma_start3A_30, %dma_start3A_37] : memref<8x64xi32, #tpu.memory_space<vmem>> -> memref<1x64xi32, #tpu.memory_space<vmem>>
    %dma_start3A_39 = tpu.memref_squeeze %dma_start3A_38 : memref<1x64xi32, #tpu.memory_space<vmem>> -> memref<64xi32, #tpu.memory_space<vmem>>
    %dma_start3A_40 = arith.constant 0 : i32
    %dma_start3A_41 = arith.constant 0 : i32
    %dma_start3A_42 = tpu.memref_slice %arg3[%dma_start3A_40, %dma_start3A_41] : memref<1001x128xf32, #tpu.memory_space<hbm>> -> memref<1001x128xf32, #tpu.memory_space<hbm>>
    %dma_start3A_43 = tpu.memref_slice %arg7[%dma_start3A_32] : memref<8x!tpu.dma_semaphore, #tpu.memory_space<semaphore_mem>> -> memref<1x!tpu.dma_semaphore, #tpu.memory_space<semaphore_mem>>
    %dma_start3A_44 = tpu.memref_squeeze %dma_start3A_43 : memref<1x!tpu.dma_semaphore, #tpu.memory_space<semaphore_mem>> -> memref<!tpu.dma_semaphore, #tpu.memory_space<semaphore_mem>>
    tpu.enqueue_indirect_dma source(%dma_start3A_42 : memref<1001x128xf32, #tpu.memory_space<hbm>>) target(%dma_start3A_36 : memref<64x128xf32, #tpu.memory_space<vmem>>) offsets(%dma_start3A_39 : memref<64xi32, #tpu.memory_space<vmem>>) semaphore(%dma_start3A_44 : memref<!tpu.dma_semaphore, #tpu.memory_space<semaphore_mem>>)
    %dma_start3A_45 = arith.constant 3 : i32
    %dma_start3A_46 = arith.constant 3 : i32
    %dma_start3A_47 = arith.constant 3 : i32
    %dma_start3A_48 = arith.constant 0 : i32
    %dma_start3A_49 = arith.constant 0 : i32
    %dma_start3A_50 = tpu.memref_slice %arg6[%dma_start3A_46, %dma_start3A_48, %dma_start3A_49] : memref<8x64x128xf32, #tpu.memory_space<vmem>> -> memref<1x64x128xf32, #tpu.memory_space<vmem>>
    %dma_start3A_51 = tpu.memref_squeeze %dma_start3A_50 : memref<1x64x128xf32, #tpu.memory_space<vmem>> -> memref<64x128xf32, #tpu.memory_space<vmem>>
    %dma_start3A_52 = arith.constant 0 : i32
    %dma_start3A_53 = tpu.memref_slice %arg5[%dma_start3A_45, %dma_start3A_52] : memref<8x64xi32, #tpu.memory_space<vmem>> -> memref<1x64xi32, #tpu.memory_space<vmem>>
    %dma_start3A_54 = tpu.memref_squeeze %dma_start3A_53 : memref<1x64xi32, #tpu.memory_space<vmem>> -> memref<64xi32, #tpu.memory_space<vmem>>
    %dma_start3A_55 = arith.constant 0 : i32
    %dma_start3A_56 = arith.constant 0 : i32
    %dma_start3A_57 = tpu.memref_slice %arg3[%dma_start3A_55, %dma_start3A_56] : memref<1001x128xf32, #tpu.memory_space<hbm>> -> memref<1001x128xf32, #tpu.memory_space<hbm>>
    %dma_start3A_58 = tpu.memref_slice %arg7[%dma_start3A_47] : memref<8x!tpu.dma_semaphore, #tpu.memory_space<semaphore_mem>> -> memref<1x!tpu.dma_semaphore, #tpu.memory_space<semaphore_mem>>
    %dma_start3A_59 = tpu.memref_squeeze %dma_start3A_58 : memref<1x!tpu.dma_semaphore, #tpu.memory_space<semaphore_mem>> -> memref<!tpu.dma_semaphore, #tpu.memory_space<semaphore_mem>>
    tpu.enqueue_indirect_dma source(%dma_start3A_57 : memref<1001x128xf32, #tpu.memory_space<hbm>>) target(%dma_start3A_51 : memref<64x128xf32, #tpu.memory_space<vmem>>) offsets(%dma_start3A_54 : memref<64xi32, #tpu.memory_space<vmem>>) semaphore(%dma_start3A_59 : memref<!tpu.dma_semaphore, #tpu.memory_space<semaphore_mem>>)
    %dma_start3A_60 = arith.constant 4 : i32
    %dma_start3A_61 = arith.constant 4 : i32
    %dma_start3A_62 = arith.constant 4 : i32
    %dma_start3A_63 = arith.constant 0 : i32
    %dma_start3A_64 = arith.constant 0 : i32
    %dma_start3A_65 = tpu.memref_slice %arg6[%dma_start3A_61, %dma_start3A_63, %dma_start3A_64] : memref<8x64x128xf32, #tpu.memory_space<vmem>> -> memref<1x64x128xf32, #tpu.memory_space<vmem>>
    %dma_start3A_66 = tpu.memref_squeeze %dma_start3A_65 : memref<1x64x128xf32, #tpu.memory_space<vmem>> -> memref<64x128xf32, #tpu.memory_space<vmem>>
    %dma_start3A_67 = arith.constant 0 : i32
    %dma_start3A_68 = tpu.memref_slice %arg5[%dma_start3A_60, %dma_start3A_67] : memref<8x64xi32, #tpu.memory_space<vmem>> -> memref<1x64xi32, #tpu.memory_space<vmem>>
    %dma_start3A_69 = tpu.memref_squeeze %dma_start3A_68 : memref<1x64xi32, #tpu.memory_space<vmem>> -> memref<64xi32, #tpu.memory_space<vmem>>
    %dma_start3A_70 = arith.constant 0 : i32
    %dma_start3A_71 = arith.constant 0 : i32
    %dma_start3A_72 = tpu.memref_slice %arg3[%dma_start3A_70, %dma_start3A_71] : memref<1001x128xf32, #tpu.memory_space<hbm>> -> memref<1001x128xf32, #tpu.memory_space<hbm>>
    %dma_start3A_73 = tpu.memref_slice %arg7[%dma_start3A_62] : memref<8x!tpu.dma_semaphore, #tpu.memory_space<semaphore_mem>> -> memref<1x!tpu.dma_semaphore, #tpu.memory_space<semaphore_mem>>
    %dma_start3A_74 = tpu.memref_squeeze %dma_start3A_73 : memref<1x!tpu.dma_semaphore, #tpu.memory_space<semaphore_mem>> -> memref<!tpu.dma_semaphore, #tpu.memory_space<semaphore_mem>>
    tpu.enqueue_indirect_dma source(%dma_start3A_72 : memref<1001x128xf32, #tpu.memory_space<hbm>>) target(%dma_start3A_66 : memref<64x128xf32, #tpu.memory_space<vmem>>) offsets(%dma_start3A_69 : memref<64xi32, #tpu.memory_space<vmem>>) semaphore(%dma_start3A_74 : memref<!tpu.dma_semaphore, #tpu.memory_space<semaphore_mem>>)
    %dma_start3A_75 = arith.constant 5 : i32
    %dma_start3A_76 = arith.constant 5 : i32
    %dma_start3A_77 = arith.constant 5 : i32
    %dma_start3A_78 = arith.constant 0 : i32
    %dma_start3A_79 = arith.constant 0 : i32
    %dma_start3A_80 = tpu.memref_slice %arg6[%dma_start3A_76, %dma_start3A_78, %dma_start3A_79] : memref<8x64x128xf32, #tpu.memory_space<vmem>> -> memref<1x64x128xf32, #tpu.memory_space<vmem>>
    %dma_start3A_81 = tpu.memref_squeeze %dma_start3A_80 : memref<1x64x128xf32, #tpu.memory_space<vmem>> -> memref<64x128xf32, #tpu.memory_space<vmem>>
    %dma_start3A_82 = arith.constant 0 : i32
    %dma_start3A_83 = tpu.memref_slice %arg5[%dma_start3A_75, %dma_start3A_82] : memref<8x64xi32, #tpu.memory_space<vmem>> -> memref<1x64xi32, #tpu.memory_space<vmem>>
    %dma_start3A_84 = tpu.memref_squeeze %dma_start3A_83 : memref<1x64xi32, #tpu.memory_space<vmem>> -> memref<64xi32, #tpu.memory_space<vmem>>
    %dma_start3A_85 = arith.constant 0 : i32
    %dma_start3A_86 = arith.constant 0 : i32
    %dma_start3A_87 = tpu.memref_slice %arg3[%dma_start3A_85, %dma_start3A_86] : memref<1001x128xf32, #tpu.memory_space<hbm>> -> memref<1001x128xf32, #tpu.memory_space<hbm>>
    %dma_start3A_88 = tpu.memref_slice %arg7[%dma_start3A_77] : memref<8x!tpu.dma_semaphore, #tpu.memory_space<semaphore_mem>> -> memref<1x!tpu.dma_semaphore, #tpu.memory_space<semaphore_mem>>
    %dma_start3A_89 = tpu.memref_squeeze %dma_start3A_88 : memref<1x!tpu.dma_semaphore, #tpu.memory_space<semaphore_mem>> -> memref<!tpu.dma_semaphore, #tpu.memory_space<semaphore_mem>>
    tpu.enqueue_indirect_dma source(%dma_start3A_87 : memref<1001x128xf32, #tpu.memory_space<hbm>>) target(%dma_start3A_81 : memref<64x128xf32, #tpu.memory_space<vmem>>) offsets(%dma_start3A_84 : memref<64xi32, #tpu.memory_space<vmem>>) semaphore(%dma_start3A_89 : memref<!tpu.dma_semaphore, #tpu.memory_space<semaphore_mem>>)
    %dma_start3A_90 = arith.constant 6 : i32
    %dma_start3A_91 = arith.constant 6 : i32
    %dma_start3A_92 = arith.constant 6 : i32
    %dma_start3A_93 = arith.constant 0 : i32
    %dma_start3A_94 = arith.constant 0 : i32
    %dma_start3A_95 = tpu.memref_slice %arg6[%dma_start3A_91, %dma_start3A_93, %dma_start3A_94] : memref<8x64x128xf32, #tpu.memory_space<vmem>> -> memref<1x64x128xf32, #tpu.memory_space<vmem>>
    %dma_start3A_96 = tpu.memref_squeeze %dma_start3A_95 : memref<1x64x128xf32, #tpu.memory_space<vmem>> -> memref<64x128xf32, #tpu.memory_space<vmem>>
    %dma_start3A_97 = arith.constant 0 : i32
    %dma_start3A_98 = tpu.memref_slice %arg5[%dma_start3A_90, %dma_start3A_97] : memref<8x64xi32, #tpu.memory_space<vmem>> -> memref<1x64xi32, #tpu.memory_space<vmem>>
    %dma_start3A_99 = tpu.memref_squeeze %dma_start3A_98 : memref<1x64xi32, #tpu.memory_space<vmem>> -> memref<64xi32, #tpu.memory_space<vmem>>
    %dma_start3A_100 = arith.constant 0 : i32
    %dma_start3A_101 = arith.constant 0 : i32
    %dma_start3A_102 = tpu.memref_slice %arg3[%dma_start3A_100, %dma_start3A_101] : memref<1001x128xf32, #tpu.memory_space<hbm>> -> memref<1001x128xf32, #tpu.memory_space<hbm>>
    %dma_start3A_103 = tpu.memref_slice %arg7[%dma_start3A_92] : memref<8x!tpu.dma_semaphore, #tpu.memory_space<semaphore_mem>> -> memref<1x!tpu.dma_semaphore, #tpu.memory_space<semaphore_mem>>
    %dma_start3A_104 = tpu.memref_squeeze %dma_start3A_103 : memref<1x!tpu.dma_semaphore, #tpu.memory_space<semaphore_mem>> -> memref<!tpu.dma_semaphore, #tpu.memory_space<semaphore_mem>>
    tpu.enqueue_indirect_dma source(%dma_start3A_102 : memref<1001x128xf32, #tpu.memory_space<hbm>>) target(%dma_start3A_96 : memref<64x128xf32, #tpu.memory_space<vmem>>) offsets(%dma_start3A_99 : memref<64xi32, #tpu.memory_space<vmem>>) semaphore(%dma_start3A_104 : memref<!tpu.dma_semaphore, #tpu.memory_space<semaphore_mem>>)
    %dma_start3A_105 = arith.constant 7 : i32
    %dma_start3A_106 = arith.constant 7 : i32
    %dma_start3A_107 = arith.constant 7 : i32
    %dma_start3A_108 = arith.constant 0 : i32
    %dma_start3A_109 = arith.constant 0 : i32
    %dma_start3A_110 = tpu.memref_slice %arg6[%dma_start3A_106, %dma_start3A_108, %dma_start3A_109] : memref<8x64x128xf32, #tpu.memory_space<vmem>> -> memref<1x64x128xf32, #tpu.memory_space<vmem>>
    %dma_start3A_111 = tpu.memref_squeeze %dma_start3A_110 : memref<1x64x128xf32, #tpu.memory_space<vmem>> -> memref<64x128xf32, #tpu.memory_space<vmem>>
    %dma_start3A_112 = arith.constant 0 : i32
    %dma_start3A_113 = tpu.memref_slice %arg5[%dma_start3A_105, %dma_start3A_112] : memref<8x64xi32, #tpu.memory_space<vmem>> -> memref<1x64xi32, #tpu.memory_space<vmem>>
    %dma_start3A_114 = tpu.memref_squeeze %dma_start3A_113 : memref<1x64xi32, #tpu.memory_space<vmem>> -> memref<64xi32, #tpu.memory_space<vmem>>
    %dma_start3A_115 = arith.constant 0 : i32
    %dma_start3A_116 = arith.constant 0 : i32
    %dma_start3A_117 = tpu.memref_slice %arg3[%dma_start3A_115, %dma_start3A_116] : memref<1001x128xf32, #tpu.memory_space<hbm>> -> memref<1001x128xf32, #tpu.memory_space<hbm>>
    %dma_start3A_118 = tpu.memref_slice %arg7[%dma_start3A_107] : memref<8x!tpu.dma_semaphore, #tpu.memory_space<semaphore_mem>> -> memref<1x!tpu.dma_semaphore, #tpu.memory_space<semaphore_mem>>
    %dma_start3A_119 = tpu.memref_squeeze %dma_start3A_118 : memref<1x!tpu.dma_semaphore, #tpu.memory_space<semaphore_mem>> -> memref<!tpu.dma_semaphore, #tpu.memory_space<semaphore_mem>>
    tpu.enqueue_indirect_dma source(%dma_start3A_117 : memref<1001x128xf32, #tpu.memory_space<hbm>>) target(%dma_start3A_111 : memref<64x128xf32, #tpu.memory_space<vmem>>) offsets(%dma_start3A_114 : memref<64xi32, #tpu.memory_space<vmem>>) semaphore(%dma_start3A_119 : memref<!tpu.dma_semaphore, #tpu.memory_space<semaphore_mem>>)
    %dma_wait3A = arith.constant 0 : i32
    %dma_wait3A_120 = arith.constant 0 : i32
    %dma_wait3A_121 = arith.constant 0 : i32
    %dma_wait3A_122 = arith.constant 0 : i32
    %dma_wait3A_123 = arith.constant 0 : i32
    %dma_wait3A_124 = tpu.memref_slice %arg6[%dma_wait3A_120, %dma_wait3A_122, %dma_wait3A_123] : memref<8x64x128xf32, #tpu.memory_space<vmem>> -> memref<1x64x128xf32, #tpu.memory_space<vmem>>
    %dma_wait3A_125 = tpu.memref_squeeze %dma_wait3A_124 : memref<1x64x128xf32, #tpu.memory_space<vmem>> -> memref<64x128xf32, #tpu.memory_space<vmem>>
    %dma_wait3A_126 = arith.constant 0 : i32
    %dma_wait3A_127 = tpu.memref_slice %arg5[%dma_wait3A, %dma_wait3A_126] : memref<8x64xi32, #tpu.memory_space<vmem>> -> memref<1x64xi32, #tpu.memory_space<vmem>>
    %dma_wait3A_128 = tpu.memref_squeeze %dma_wait3A_127 : memref<1x64xi32, #tpu.memory_space<vmem>> -> memref<64xi32, #tpu.memory_space<vmem>>
    %dma_wait3A_129 = arith.constant 0 : i32
    %dma_wait3A_130 = arith.constant 0 : i32
    %dma_wait3A_131 = tpu.memref_slice %arg3[%dma_wait3A_129, %dma_wait3A_130] : memref<1001x128xf32, #tpu.memory_space<hbm>> -> memref<1001x128xf32, #tpu.memory_space<hbm>>
    %dma_wait3A_132 = tpu.memref_slice %arg7[%dma_wait3A_121] : memref<8x!tpu.dma_semaphore, #tpu.memory_space<semaphore_mem>> -> memref<1x!tpu.dma_semaphore, #tpu.memory_space<semaphore_mem>>
    %dma_wait3A_133 = tpu.memref_squeeze %dma_wait3A_132 : memref<1x!tpu.dma_semaphore, #tpu.memory_space<semaphore_mem>> -> memref<!tpu.dma_semaphore, #tpu.memory_space<semaphore_mem>>
    tpu.wait_indirect_dma semaphore(%dma_wait3A_133 : memref<!tpu.dma_semaphore, #tpu.memory_space<semaphore_mem>>) src(%dma_wait3A_131 : memref<1001x128xf32, #tpu.memory_space<hbm>>) dst(%dma_wait3A_125 : memref<64x128xf32, #tpu.memory_space<vmem>>)
    %dma_start3A_134 = arith.constant 0 : i32
    %dma_start3A_135 = arith.constant 0 : i32
    %dma_start3A_136 = arith.constant 0 : i32
    %dma_start3A_137 = arith.constant 0 : i32
    %dma_start3A_138 = tpu.memref_slice %arg6[%dma_start3A_134, %dma_start3A_136, %dma_start3A_137] : memref<8x64x128xf32, #tpu.memory_space<vmem>> -> memref<1x64x128xf32, #tpu.memory_space<vmem>>
    %dma_start3A_139 = tpu.memref_squeeze %dma_start3A_138 : memref<1x64x128xf32, #tpu.memory_space<vmem>> -> memref<64x128xf32, #tpu.memory_space<vmem>>
    %dma_start3A_140 = arith.constant 0 : i32
    %dma_start3A_141 = arith.constant 0 : i32
    %dma_start3A_142 = tpu.memref_slice %arg4[%add3A, %dma_start3A_135, %dma_start3A_140, %dma_start3A_141] : memref<32x8x64x128xf32, #tpu.memory_space<hbm>> -> memref<1x1x64x128xf32, #tpu.memory_space<hbm>>
    %dma_start3A_143 = tpu.memref_squeeze %dma_start3A_142 : memref<1x1x64x128xf32, #tpu.memory_space<hbm>> -> memref<64x128xf32, #tpu.memory_space<hbm>>
    %dma_start3A_144 = arith.constant 0 : i32
    %dma_start3A_145 = arith.constant 0 : i32
    %dma_start3A_146 = tpu.memref_slice %arg4[%add3A, %dma_start3A_135, %dma_start3A_144, %dma_start3A_145] : memref<32x8x64x128xf32, #tpu.memory_space<hbm>> -> memref<1x1x64x128xf32, #tpu.memory_space<hbm>>
    %dma_start3A_147 = tpu.memref_squeeze %dma_start3A_146 : memref<1x1x64x128xf32, #tpu.memory_space<hbm>> -> memref<64x128xf32, #tpu.memory_space<hbm>>
    %dma_start3A_148 = arith.constant 0 : i32
    %dma_start3A_149 = arith.constant 0 : i32
    %dma_start3A_150 = tpu.memref_slice %arg6[%dma_start3A_134, %dma_start3A_148, %dma_start3A_149] : memref<8x64x128xf32, #tpu.memory_space<vmem>> -> memref<1x64x128xf32, #tpu.memory_space<vmem>>
    %dma_start3A_151 = tpu.memref_squeeze %dma_start3A_150 : memref<1x64x128xf32, #tpu.memory_space<vmem>> -> memref<64x128xf32, #tpu.memory_space<vmem>>
    tpu.enqueue_dma source(%dma_start3A_151 : memref<64x128xf32, #tpu.memory_space<vmem>>) target(%dma_start3A_147 : memref<64x128xf32, #tpu.memory_space<hbm>>) target_semaphore(%arg8 : memref<!tpu.dma_semaphore, #tpu.memory_space<semaphore_mem>>)
    %dma_wait3A_152 = arith.constant 1 : i32
    %dma_wait3A_153 = arith.constant 1 : i32
    %dma_wait3A_154 = arith.constant 1 : i32
    %dma_wait3A_155 = arith.constant 0 : i32
    %dma_wait3A_156 = arith.constant 0 : i32
    %dma_wait3A_157 = tpu.memref_slice %arg6[%dma_wait3A_153, %dma_wait3A_155, %dma_wait3A_156] : memref<8x64x128xf32, #tpu.memory_space<vmem>> -> memref<1x64x128xf32, #tpu.memory_space<vmem>>
    %dma_wait3A_158 = tpu.memref_squeeze %dma_wait3A_157 : memref<1x64x128xf32, #tpu.memory_space<vmem>> -> memref<64x128xf32, #tpu.memory_space<vmem>>
    %dma_wait3A_159 = arith.constant 0 : i32
    %dma_wait3A_160 = tpu.memref_slice %arg5[%dma_wait3A_152, %dma_wait3A_159] : memref<8x64xi32, #tpu.memory_space<vmem>> -> memref<1x64xi32, #tpu.memory_space<vmem>>
    %dma_wait3A_161 = tpu.memref_squeeze %dma_wait3A_160 : memref<1x64xi32, #tpu.memory_space<vmem>> -> memref<64xi32, #tpu.memory_space<vmem>>
    %dma_wait3A_162 = arith.constant 0 : i32
    %dma_wait3A_163 = arith.constant 0 : i32
    %dma_wait3A_164 = tpu.memref_slice %arg3[%dma_wait3A_162, %dma_wait3A_163] : memref<1001x128xf32, #tpu.memory_space<hbm>> -> memref<1001x128xf32, #tpu.memory_space<hbm>>
    %dma_wait3A_165 = tpu.memref_slice %arg7[%dma_wait3A_154] : memref<8x!tpu.dma_semaphore, #tpu.memory_space<semaphore_mem>> -> memref<1x!tpu.dma_semaphore, #tpu.memory_space<semaphore_mem>>
    %dma_wait3A_166 = tpu.memref_squeeze %dma_wait3A_165 : memref<1x!tpu.dma_semaphore, #tpu.memory_space<semaphore_mem>> -> memref<!tpu.dma_semaphore, #tpu.memory_space<semaphore_mem>>
    tpu.wait_indirect_dma semaphore(%dma_wait3A_166 : memref<!tpu.dma_semaphore, #tpu.memory_space<semaphore_mem>>) src(%dma_wait3A_164 : memref<1001x128xf32, #tpu.memory_space<hbm>>) dst(%dma_wait3A_158 : memref<64x128xf32, #tpu.memory_space<vmem>>)
    %dma_start3A_167 = arith.constant 1 : i32
    %dma_start3A_168 = arith.constant 1 : i32
    %dma_start3A_169 = arith.constant 0 : i32
    %dma_start3A_170 = arith.constant 0 : i32
    %dma_start3A_171 = tpu.memref_slice %arg6[%dma_start3A_167, %dma_start3A_169, %dma_start3A_170] : memref<8x64x128xf32, #tpu.memory_space<vmem>> -> memref<1x64x128xf32, #tpu.memory_space<vmem>>
    %dma_start3A_172 = tpu.memref_squeeze %dma_start3A_171 : memref<1x64x128xf32, #tpu.memory_space<vmem>> -> memref<64x128xf32, #tpu.memory_space<vmem>>
    %dma_start3A_173 = arith.constant 0 : i32
    %dma_start3A_174 = arith.constant 0 : i32
    %dma_start3A_175 = tpu.memref_slice %arg4[%add3A, %dma_start3A_168, %dma_start3A_173, %dma_start3A_174] : memref<32x8x64x128xf32, #tpu.memory_space<hbm>> -> memref<1x1x64x128xf32, #tpu.memory_space<hbm>>
    %dma_start3A_176 = tpu.memref_squeeze %dma_start3A_175 : memref<1x1x64x128xf32, #tpu.memory_space<hbm>> -> memref<64x128xf32, #tpu.memory_space<hbm>>
    %dma_start3A_177 = arith.constant 0 : i32
    %dma_start3A_178 = arith.constant 0 : i32
    %dma_start3A_179 = tpu.memref_slice %arg4[%add3A, %dma_start3A_168, %dma_start3A_177, %dma_start3A_178] : memref<32x8x64x128xf32, #tpu.memory_space<hbm>> -> memref<1x1x64x128xf32, #tpu.memory_space<hbm>>
    %dma_start3A_180 = tpu.memref_squeeze %dma_start3A_179 : memref<1x1x64x128xf32, #tpu.memory_space<hbm>> -> memref<64x128xf32, #tpu.memory_space<hbm>>
    %dma_start3A_181 = arith.constant 0 : i32
    %dma_start3A_182 = arith.constant 0 : i32
    %dma_start3A_183 = tpu.memref_slice %arg6[%dma_start3A_167, %dma_start3A_181, %dma_start3A_182] : memref<8x64x128xf32, #tpu.memory_space<vmem>> -> memref<1x64x128xf32, #tpu.memory_space<vmem>>
    %dma_start3A_184 = tpu.memref_squeeze %dma_start3A_183 : memref<1x64x128xf32, #tpu.memory_space<vmem>> -> memref<64x128xf32, #tpu.memory_space<vmem>>
    tpu.enqueue_dma source(%dma_start3A_184 : memref<64x128xf32, #tpu.memory_space<vmem>>) target(%dma_start3A_180 : memref<64x128xf32, #tpu.memory_space<hbm>>) target_semaphore(%arg8 : memref<!tpu.dma_semaphore, #tpu.memory_space<semaphore_mem>>)
    %dma_wait3A_185 = arith.constant 2 : i32
    %dma_wait3A_186 = arith.constant 2 : i32
    %dma_wait3A_187 = arith.constant 2 : i32
    %dma_wait3A_188 = arith.constant 0 : i32
    %dma_wait3A_189 = arith.constant 0 : i32
    %dma_wait3A_190 = tpu.memref_slice %arg6[%dma_wait3A_186, %dma_wait3A_188, %dma_wait3A_189] : memref<8x64x128xf32, #tpu.memory_space<vmem>> -> memref<1x64x128xf32, #tpu.memory_space<vmem>>
    %dma_wait3A_191 = tpu.memref_squeeze %dma_wait3A_190 : memref<1x64x128xf32, #tpu.memory_space<vmem>> -> memref<64x128xf32, #tpu.memory_space<vmem>>
    %dma_wait3A_192 = arith.constant 0 : i32
    %dma_wait3A_193 = tpu.memref_slice %arg5[%dma_wait3A_185, %dma_wait3A_192] : memref<8x64xi32, #tpu.memory_space<vmem>> -> memref<1x64xi32, #tpu.memory_space<vmem>>
    %dma_wait3A_194 = tpu.memref_squeeze %dma_wait3A_193 : memref<1x64xi32, #tpu.memory_space<vmem>> -> memref<64xi32, #tpu.memory_space<vmem>>
    %dma_wait3A_195 = arith.constant 0 : i32
    %dma_wait3A_196 = arith.constant 0 : i32
    %dma_wait3A_197 = tpu.memref_slice %arg3[%dma_wait3A_195, %dma_wait3A_196] : memref<1001x128xf32, #tpu.memory_space<hbm>> -> memref<1001x128xf32, #tpu.memory_space<hbm>>
    %dma_wait3A_198 = tpu.memref_slice %arg7[%dma_wait3A_187] : memref<8x!tpu.dma_semaphore, #tpu.memory_space<semaphore_mem>> -> memref<1x!tpu.dma_semaphore, #tpu.memory_space<semaphore_mem>>
    %dma_wait3A_199 = tpu.memref_squeeze %dma_wait3A_198 : memref<1x!tpu.dma_semaphore, #tpu.memory_space<semaphore_mem>> -> memref<!tpu.dma_semaphore, #tpu.memory_space<semaphore_mem>>
    tpu.wait_indirect_dma semaphore(%dma_wait3A_199 : memref<!tpu.dma_semaphore, #tpu.memory_space<semaphore_mem>>) src(%dma_wait3A_197 : memref<1001x128xf32, #tpu.memory_space<hbm>>) dst(%dma_wait3A_191 : memref<64x128xf32, #tpu.memory_space<vmem>>)
    %dma_start3A_200 = arith.constant 2 : i32
    %dma_start3A_201 = arith.constant 2 : i32
    %dma_start3A_202 = arith.constant 0 : i32
    %dma_start3A_203 = arith.constant 0 : i32
    %dma_start3A_204 = tpu.memref_slice %arg6[%dma_start3A_200, %dma_start3A_202, %dma_start3A_203] : memref<8x64x128xf32, #tpu.memory_space<vmem>> -> memref<1x64x128xf32, #tpu.memory_space<vmem>>
    %dma_start3A_205 = tpu.memref_squeeze %dma_start3A_204 : memref<1x64x128xf32, #tpu.memory_space<vmem>> -> memref<64x128xf32, #tpu.memory_space<vmem>>
    %dma_start3A_206 = arith.constant 0 : i32
    %dma_start3A_207 = arith.constant 0 : i32
    %dma_start3A_208 = tpu.memref_slice %arg4[%add3A, %dma_start3A_201, %dma_start3A_206, %dma_start3A_207] : memref<32x8x64x128xf32, #tpu.memory_space<hbm>> -> memref<1x1x64x128xf32, #tpu.memory_space<hbm>>
    %dma_start3A_209 = tpu.memref_squeeze %dma_start3A_208 : memref<1x1x64x128xf32, #tpu.memory_space<hbm>> -> memref<64x128xf32, #tpu.memory_space<hbm>>
    %dma_start3A_210 = arith.constant 0 : i32
    %dma_start3A_211 = arith.constant 0 : i32
    %dma_start3A_212 = tpu.memref_slice %arg4[%add3A, %dma_start3A_201, %dma_start3A_210, %dma_start3A_211] : memref<32x8x64x128xf32, #tpu.memory_space<hbm>> -> memref<1x1x64x128xf32, #tpu.memory_space<hbm>>
    %dma_start3A_213 = tpu.memref_squeeze %dma_start3A_212 : memref<1x1x64x128xf32, #tpu.memory_space<hbm>> -> memref<64x128xf32, #tpu.memory_space<hbm>>
    %dma_start3A_214 = arith.constant 0 : i32
    %dma_start3A_215 = arith.constant 0 : i32
    %dma_start3A_216 = tpu.memref_slice %arg6[%dma_start3A_200, %dma_start3A_214, %dma_start3A_215] : memref<8x64x128xf32, #tpu.memory_space<vmem>> -> memref<1x64x128xf32, #tpu.memory_space<vmem>>
    %dma_start3A_217 = tpu.memref_squeeze %dma_start3A_216 : memref<1x64x128xf32, #tpu.memory_space<vmem>> -> memref<64x128xf32, #tpu.memory_space<vmem>>
    tpu.enqueue_dma source(%dma_start3A_217 : memref<64x128xf32, #tpu.memory_space<vmem>>) target(%dma_start3A_213 : memref<64x128xf32, #tpu.memory_space<hbm>>) target_semaphore(%arg8 : memref<!tpu.dma_semaphore, #tpu.memory_space<semaphore_mem>>)
    %dma_wait3A_218 = arith.constant 3 : i32
    %dma_wait3A_219 = arith.constant 3 : i32
    %dma_wait3A_220 = arith.constant 3 : i32
    %dma_wait3A_221 = arith.constant 0 : i32
    %dma_wait3A_222 = arith.constant 0 : i32
    %dma_wait3A_223 = tpu.memref_slice %arg6[%dma_wait3A_219, %dma_wait3A_221, %dma_wait3A_222] : memref<8x64x128xf32, #tpu.memory_space<vmem>> -> memref<1x64x128xf32, #tpu.memory_space<vmem>>
    %dma_wait3A_224 = tpu.memref_squeeze %dma_wait3A_223 : memref<1x64x128xf32, #tpu.memory_space<vmem>> -> memref<64x128xf32, #tpu.memory_space<vmem>>
    %dma_wait3A_225 = arith.constant 0 : i32
    %dma_wait3A_226 = tpu.memref_slice %arg5[%dma_wait3A_218, %dma_wait3A_225] : memref<8x64xi32, #tpu.memory_space<vmem>> -> memref<1x64xi32, #tpu.memory_space<vmem>>
    %dma_wait3A_227 = tpu.memref_squeeze %dma_wait3A_226 : memref<1x64xi32, #tpu.memory_space<vmem>> -> memref<64xi32, #tpu.memory_space<vmem>>
    %dma_wait3A_228 = arith.constant 0 : i32
    %dma_wait3A_229 = arith.constant 0 : i32
    %dma_wait3A_230 = tpu.memref_slice %arg3[%dma_wait3A_228, %dma_wait3A_229] : memref<1001x128xf32, #tpu.memory_space<hbm>> -> memref<1001x128xf32, #tpu.memory_space<hbm>>
    %dma_wait3A_231 = tpu.memref_slice %arg7[%dma_wait3A_220] : memref<8x!tpu.dma_semaphore, #tpu.memory_space<semaphore_mem>> -> memref<1x!tpu.dma_semaphore, #tpu.memory_space<semaphore_mem>>
    %dma_wait3A_232 = tpu.memref_squeeze %dma_wait3A_231 : memref<1x!tpu.dma_semaphore, #tpu.memory_space<semaphore_mem>> -> memref<!tpu.dma_semaphore, #tpu.memory_space<semaphore_mem>>
    tpu.wait_indirect_dma semaphore(%dma_wait3A_232 : memref<!tpu.dma_semaphore, #tpu.memory_space<semaphore_mem>>) src(%dma_wait3A_230 : memref<1001x128xf32, #tpu.memory_space<hbm>>) dst(%dma_wait3A_224 : memref<64x128xf32, #tpu.memory_space<vmem>>)
    %dma_start3A_233 = arith.constant 3 : i32
    %dma_start3A_234 = arith.constant 3 : i32
    %dma_start3A_235 = arith.constant 0 : i32
    %dma_start3A_236 = arith.constant 0 : i32
    %dma_start3A_237 = tpu.memref_slice %arg6[%dma_start3A_233, %dma_start3A_235, %dma_start3A_236] : memref<8x64x128xf32, #tpu.memory_space<vmem>> -> memref<1x64x128xf32, #tpu.memory_space<vmem>>
    %dma_start3A_238 = tpu.memref_squeeze %dma_start3A_237 : memref<1x64x128xf32, #tpu.memory_space<vmem>> -> memref<64x128xf32, #tpu.memory_space<vmem>>
    %dma_start3A_239 = arith.constant 0 : i32
    %dma_start3A_240 = arith.constant 0 : i32
    %dma_start3A_241 = tpu.memref_slice %arg4[%add3A, %dma_start3A_234, %dma_start3A_239, %dma_start3A_240] : memref<32x8x64x128xf32, #tpu.memory_space<hbm>> -> memref<1x1x64x128xf32, #tpu.memory_space<hbm>>
    %dma_start3A_242 = tpu.memref_squeeze %dma_start3A_241 : memref<1x1x64x128xf32, #tpu.memory_space<hbm>> -> memref<64x128xf32, #tpu.memory_space<hbm>>
    %dma_start3A_243 = arith.constant 0 : i32
    %dma_start3A_244 = arith.constant 0 : i32
    %dma_start3A_245 = tpu.memref_slice %arg4[%add3A, %dma_start3A_234, %dma_start3A_243, %dma_start3A_244] : memref<32x8x64x128xf32, #tpu.memory_space<hbm>> -> memref<1x1x64x128xf32, #tpu.memory_space<hbm>>
    %dma_start3A_246 = tpu.memref_squeeze %dma_start3A_245 : memref<1x1x64x128xf32, #tpu.memory_space<hbm>> -> memref<64x128xf32, #tpu.memory_space<hbm>>
    %dma_start3A_247 = arith.constant 0 : i32
    %dma_start3A_248 = arith.constant 0 : i32
    %dma_start3A_249 = tpu.memref_slice %arg6[%dma_start3A_233, %dma_start3A_247, %dma_start3A_248] : memref<8x64x128xf32, #tpu.memory_space<vmem>> -> memref<1x64x128xf32, #tpu.memory_space<vmem>>
    %dma_start3A_250 = tpu.memref_squeeze %dma_start3A_249 : memref<1x64x128xf32, #tpu.memory_space<vmem>> -> memref<64x128xf32, #tpu.memory_space<vmem>>
    tpu.enqueue_dma source(%dma_start3A_250 : memref<64x128xf32, #tpu.memory_space<vmem>>) target(%dma_start3A_246 : memref<64x128xf32, #tpu.memory_space<hbm>>) target_semaphore(%arg8 : memref<!tpu.dma_semaphore, #tpu.memory_space<semaphore_mem>>)
    %dma_wait3A_251 = arith.constant 4 : i32
    %dma_wait3A_252 = arith.constant 4 : i32
    %dma_wait3A_253 = arith.constant 4 : i32
    %dma_wait3A_254 = arith.constant 0 : i32
    %dma_wait3A_255 = arith.constant 0 : i32
    %dma_wait3A_256 = tpu.memref_slice %arg6[%dma_wait3A_252, %dma_wait3A_254, %dma_wait3A_255] : memref<8x64x128xf32, #tpu.memory_space<vmem>> -> memref<1x64x128xf32, #tpu.memory_space<vmem>>
    %dma_wait3A_257 = tpu.memref_squeeze %dma_wait3A_256 : memref<1x64x128xf32, #tpu.memory_space<vmem>> -> memref<64x128xf32, #tpu.memory_space<vmem>>
    %dma_wait3A_258 = arith.constant 0 : i32
    %dma_wait3A_259 = tpu.memref_slice %arg5[%dma_wait3A_251, %dma_wait3A_258] : memref<8x64xi32, #tpu.memory_space<vmem>> -> memref<1x64xi32, #tpu.memory_space<vmem>>
    %dma_wait3A_260 = tpu.memref_squeeze %dma_wait3A_259 : memref<1x64xi32, #tpu.memory_space<vmem>> -> memref<64xi32, #tpu.memory_space<vmem>>
    %dma_wait3A_261 = arith.constant 0 : i32
    %dma_wait3A_262 = arith.constant 0 : i32
    %dma_wait3A_263 = tpu.memref_slice %arg3[%dma_wait3A_261, %dma_wait3A_262] : memref<1001x128xf32, #tpu.memory_space<hbm>> -> memref<1001x128xf32, #tpu.memory_space<hbm>>
    %dma_wait3A_264 = tpu.memref_slice %arg7[%dma_wait3A_253] : memref<8x!tpu.dma_semaphore, #tpu.memory_space<semaphore_mem>> -> memref<1x!tpu.dma_semaphore, #tpu.memory_space<semaphore_mem>>
    %dma_wait3A_265 = tpu.memref_squeeze %dma_wait3A_264 : memref<1x!tpu.dma_semaphore, #tpu.memory_space<semaphore_mem>> -> memref<!tpu.dma_semaphore, #tpu.memory_space<semaphore_mem>>
    tpu.wait_indirect_dma semaphore(%dma_wait3A_265 : memref<!tpu.dma_semaphore, #tpu.memory_space<semaphore_mem>>) src(%dma_wait3A_263 : memref<1001x128xf32, #tpu.memory_space<hbm>>) dst(%dma_wait3A_257 : memref<64x128xf32, #tpu.memory_space<vmem>>)
    %dma_start3A_266 = arith.constant 4 : i32
    %dma_start3A_267 = arith.constant 4 : i32
    %dma_start3A_268 = arith.constant 0 : i32
    %dma_start3A_269 = arith.constant 0 : i32
    %dma_start3A_270 = tpu.memref_slice %arg6[%dma_start3A_266, %dma_start3A_268, %dma_start3A_269] : memref<8x64x128xf32, #tpu.memory_space<vmem>> -> memref<1x64x128xf32, #tpu.memory_space<vmem>>
    %dma_start3A_271 = tpu.memref_squeeze %dma_start3A_270 : memref<1x64x128xf32, #tpu.memory_space<vmem>> -> memref<64x128xf32, #tpu.memory_space<vmem>>
    %dma_start3A_272 = arith.constant 0 : i32
    %dma_start3A_273 = arith.constant 0 : i32
    %dma_start3A_274 = tpu.memref_slice %arg4[%add3A, %dma_start3A_267, %dma_start3A_272, %dma_start3A_273] : memref<32x8x64x128xf32, #tpu.memory_space<hbm>> -> memref<1x1x64x128xf32, #tpu.memory_space<hbm>>
    %dma_start3A_275 = tpu.memref_squeeze %dma_start3A_274 : memref<1x1x64x128xf32, #tpu.memory_space<hbm>> -> memref<64x128xf32, #tpu.memory_space<hbm>>
    %dma_start3A_276 = arith.constant 0 : i32
    %dma_start3A_277 = arith.constant 0 : i32
    %dma_start3A_278 = tpu.memref_slice %arg4[%add3A, %dma_start3A_267, %dma_start3A_276, %dma_start3A_277] : memref<32x8x64x128xf32, #tpu.memory_space<hbm>> -> memref<1x1x64x128xf32, #tpu.memory_space<hbm>>
    %dma_start3A_279 = tpu.memref_squeeze %dma_start3A_278 : memref<1x1x64x128xf32, #tpu.memory_space<hbm>> -> memref<64x128xf32, #tpu.memory_space<hbm>>
    %dma_start3A_280 = arith.constant 0 : i32
    %dma_start3A_281 = arith.constant 0 : i32
    %dma_start3A_282 = tpu.memref_slice %arg6[%dma_start3A_266, %dma_start3A_280, %dma_start3A_281] : memref<8x64x128xf32, #tpu.memory_space<vmem>> -> memref<1x64x128xf32, #tpu.memory_space<vmem>>
    %dma_start3A_283 = tpu.memref_squeeze %dma_start3A_282 : memref<1x64x128xf32, #tpu.memory_space<vmem>> -> memref<64x128xf32, #tpu.memory_space<vmem>>
    tpu.enqueue_dma source(%dma_start3A_283 : memref<64x128xf32, #tpu.memory_space<vmem>>) target(%dma_start3A_279 : memref<64x128xf32, #tpu.memory_space<hbm>>) target_semaphore(%arg8 : memref<!tpu.dma_semaphore, #tpu.memory_space<semaphore_mem>>)
    %dma_wait3A_284 = arith.constant 5 : i32
    %dma_wait3A_285 = arith.constant 5 : i32
    %dma_wait3A_286 = arith.constant 5 : i32
    %dma_wait3A_287 = arith.constant 0 : i32
    %dma_wait3A_288 = arith.constant 0 : i32
    %dma_wait3A_289 = tpu.memref_slice %arg6[%dma_wait3A_285, %dma_wait3A_287, %dma_wait3A_288] : memref<8x64x128xf32, #tpu.memory_space<vmem>> -> memref<1x64x128xf32, #tpu.memory_space<vmem>>
    %dma_wait3A_290 = tpu.memref_squeeze %dma_wait3A_289 : memref<1x64x128xf32, #tpu.memory_space<vmem>> -> memref<64x128xf32, #tpu.memory_space<vmem>>
    %dma_wait3A_291 = arith.constant 0 : i32
    %dma_wait3A_292 = tpu.memref_slice %arg5[%dma_wait3A_284, %dma_wait3A_291] : memref<8x64xi32, #tpu.memory_space<vmem>> -> memref<1x64xi32, #tpu.memory_space<vmem>>
    %dma_wait3A_293 = tpu.memref_squeeze %dma_wait3A_292 : memref<1x64xi32, #tpu.memory_space<vmem>> -> memref<64xi32, #tpu.memory_space<vmem>>
    %dma_wait3A_294 = arith.constant 0 : i32
    %dma_wait3A_295 = arith.constant 0 : i32
    %dma_wait3A_296 = tpu.memref_slice %arg3[%dma_wait3A_294, %dma_wait3A_295] : memref<1001x128xf32, #tpu.memory_space<hbm>> -> memref<1001x128xf32, #tpu.memory_space<hbm>>
    %dma_wait3A_297 = tpu.memref_slice %arg7[%dma_wait3A_286] : memref<8x!tpu.dma_semaphore, #tpu.memory_space<semaphore_mem>> -> memref<1x!tpu.dma_semaphore, #tpu.memory_space<semaphore_mem>>
    %dma_wait3A_298 = tpu.memref_squeeze %dma_wait3A_297 : memref<1x!tpu.dma_semaphore, #tpu.memory_space<semaphore_mem>> -> memref<!tpu.dma_semaphore, #tpu.memory_space<semaphore_mem>>
    tpu.wait_indirect_dma semaphore(%dma_wait3A_298 : memref<!tpu.dma_semaphore, #tpu.memory_space<semaphore_mem>>) src(%dma_wait3A_296 : memref<1001x128xf32, #tpu.memory_space<hbm>>) dst(%dma_wait3A_290 : memref<64x128xf32, #tpu.memory_space<vmem>>)
    %dma_start3A_299 = arith.constant 5 : i32
    %dma_start3A_300 = arith.constant 5 : i32
    %dma_start3A_301 = arith.constant 0 : i32
    %dma_start3A_302 = arith.constant 0 : i32
    %dma_start3A_303 = tpu.memref_slice %arg6[%dma_start3A_299, %dma_start3A_301, %dma_start3A_302] : memref<8x64x128xf32, #tpu.memory_space<vmem>> -> memref<1x64x128xf32, #tpu.memory_space<vmem>>
    %dma_start3A_304 = tpu.memref_squeeze %dma_start3A_303 : memref<1x64x128xf32, #tpu.memory_space<vmem>> -> memref<64x128xf32, #tpu.memory_space<vmem>>
    %dma_start3A_305 = arith.constant 0 : i32
    %dma_start3A_306 = arith.constant 0 : i32
    %dma_start3A_307 = tpu.memref_slice %arg4[%add3A, %dma_start3A_300, %dma_start3A_305, %dma_start3A_306] : memref<32x8x64x128xf32, #tpu.memory_space<hbm>> -> memref<1x1x64x128xf32, #tpu.memory_space<hbm>>
    %dma_start3A_308 = tpu.memref_squeeze %dma_start3A_307 : memref<1x1x64x128xf32, #tpu.memory_space<hbm>> -> memref<64x128xf32, #tpu.memory_space<hbm>>
    %dma_start3A_309 = arith.constant 0 : i32
    %dma_start3A_310 = arith.constant 0 : i32
    %dma_start3A_311 = tpu.memref_slice %arg4[%add3A, %dma_start3A_300, %dma_start3A_309, %dma_start3A_310] : memref<32x8x64x128xf32, #tpu.memory_space<hbm>> -> memref<1x1x64x128xf32, #tpu.memory_space<hbm>>
    %dma_start3A_312 = tpu.memref_squeeze %dma_start3A_311 : memref<1x1x64x128xf32, #tpu.memory_space<hbm>> -> memref<64x128xf32, #tpu.memory_space<hbm>>
    %dma_start3A_313 = arith.constant 0 : i32
    %dma_start3A_314 = arith.constant 0 : i32
    %dma_start3A_315 = tpu.memref_slice %arg6[%dma_start3A_299, %dma_start3A_313, %dma_start3A_314] : memref<8x64x128xf32, #tpu.memory_space<vmem>> -> memref<1x64x128xf32, #tpu.memory_space<vmem>>
    %dma_start3A_316 = tpu.memref_squeeze %dma_start3A_315 : memref<1x64x128xf32, #tpu.memory_space<vmem>> -> memref<64x128xf32, #tpu.memory_space<vmem>>
    tpu.enqueue_dma source(%dma_start3A_316 : memref<64x128xf32, #tpu.memory_space<vmem>>) target(%dma_start3A_312 : memref<64x128xf32, #tpu.memory_space<hbm>>) target_semaphore(%arg8 : memref<!tpu.dma_semaphore, #tpu.memory_space<semaphore_mem>>)
    %dma_wait3A_317 = arith.constant 6 : i32
    %dma_wait3A_318 = arith.constant 6 : i32
    %dma_wait3A_319 = arith.constant 6 : i32
    %dma_wait3A_320 = arith.constant 0 : i32
    %dma_wait3A_321 = arith.constant 0 : i32
    %dma_wait3A_322 = tpu.memref_slice %arg6[%dma_wait3A_318, %dma_wait3A_320, %dma_wait3A_321] : memref<8x64x128xf32, #tpu.memory_space<vmem>> -> memref<1x64x128xf32, #tpu.memory_space<vmem>>
    %dma_wait3A_323 = tpu.memref_squeeze %dma_wait3A_322 : memref<1x64x128xf32, #tpu.memory_space<vmem>> -> memref<64x128xf32, #tpu.memory_space<vmem>>
    %dma_wait3A_324 = arith.constant 0 : i32
    %dma_wait3A_325 = tpu.memref_slice %arg5[%dma_wait3A_317, %dma_wait3A_324] : memref<8x64xi32, #tpu.memory_space<vmem>> -> memref<1x64xi32, #tpu.memory_space<vmem>>
    %dma_wait3A_326 = tpu.memref_squeeze %dma_wait3A_325 : memref<1x64xi32, #tpu.memory_space<vmem>> -> memref<64xi32, #tpu.memory_space<vmem>>
    %dma_wait3A_327 = arith.constant 0 : i32
    %dma_wait3A_328 = arith.constant 0 : i32
    %dma_wait3A_329 = tpu.memref_slice %arg3[%dma_wait3A_327, %dma_wait3A_328] : memref<1001x128xf32, #tpu.memory_space<hbm>> -> memref<1001x128xf32, #tpu.memory_space<hbm>>
    %dma_wait3A_330 = tpu.memref_slice %arg7[%dma_wait3A_319] : memref<8x!tpu.dma_semaphore, #tpu.memory_space<semaphore_mem>> -> memref<1x!tpu.dma_semaphore, #tpu.memory_space<semaphore_mem>>
    %dma_wait3A_331 = tpu.memref_squeeze %dma_wait3A_330 : memref<1x!tpu.dma_semaphore, #tpu.memory_space<semaphore_mem>> -> memref<!tpu.dma_semaphore, #tpu.memory_space<semaphore_mem>>
    tpu.wait_indirect_dma semaphore(%dma_wait3A_331 : memref<!tpu.dma_semaphore, #tpu.memory_space<semaphore_mem>>) src(%dma_wait3A_329 : memref<1001x128xf32, #tpu.memory_space<hbm>>) dst(%dma_wait3A_323 : memref<64x128xf32, #tpu.memory_space<vmem>>)
    %dma_start3A_332 = arith.constant 6 : i32
    %dma_start3A_333 = arith.constant 6 : i32
    %dma_start3A_334 = arith.constant 0 : i32
    %dma_start3A_335 = arith.constant 0 : i32
    %dma_start3A_336 = tpu.memref_slice %arg6[%dma_start3A_332, %dma_start3A_334, %dma_start3A_335] : memref<8x64x128xf32, #tpu.memory_space<vmem>> -> memref<1x64x128xf32, #tpu.memory_space<vmem>>
    %dma_start3A_337 = tpu.memref_squeeze %dma_start3A_336 : memref<1x64x128xf32, #tpu.memory_space<vmem>> -> memref<64x128xf32, #tpu.memory_space<vmem>>
    %dma_start3A_338 = arith.constant 0 : i32
    %dma_start3A_339 = arith.constant 0 : i32
    %dma_start3A_340 = tpu.memref_slice %arg4[%add3A, %dma_start3A_333, %dma_start3A_338, %dma_start3A_339] : memref<32x8x64x128xf32, #tpu.memory_space<hbm>> -> memref<1x1x64x128xf32, #tpu.memory_space<hbm>>
    %dma_start3A_341 = tpu.memref_squeeze %dma_start3A_340 : memref<1x1x64x128xf32, #tpu.memory_space<hbm>> -> memref<64x128xf32, #tpu.memory_space<hbm>>
    %dma_start3A_342 = arith.constant 0 : i32
    %dma_start3A_343 = arith.constant 0 : i32
    %dma_start3A_344 = tpu.memref_slice %arg4[%add3A, %dma_start3A_333, %dma_start3A_342, %dma_start3A_343] : memref<32x8x64x128xf32, #tpu.memory_space<hbm>> -> memref<1x1x64x128xf32, #tpu.memory_space<hbm>>
    %dma_start3A_345 = tpu.memref_squeeze %dma_start3A_344 : memref<1x1x64x128xf32, #tpu.memory_space<hbm>> -> memref<64x128xf32, #tpu.memory_space<hbm>>
    %dma_start3A_346 = arith.constant 0 : i32
    %dma_start3A_347 = arith.constant 0 : i32
    %dma_start3A_348 = tpu.memref_slice %arg6[%dma_start3A_332, %dma_start3A_346, %dma_start3A_347] : memref<8x64x128xf32, #tpu.memory_space<vmem>> -> memref<1x64x128xf32, #tpu.memory_space<vmem>>
    %dma_start3A_349 = tpu.memref_squeeze %dma_start3A_348 : memref<1x64x128xf32, #tpu.memory_space<vmem>> -> memref<64x128xf32, #tpu.memory_space<vmem>>
    tpu.enqueue_dma source(%dma_start3A_349 : memref<64x128xf32, #tpu.memory_space<vmem>>) target(%dma_start3A_345 : memref<64x128xf32, #tpu.memory_space<hbm>>) target_semaphore(%arg8 : memref<!tpu.dma_semaphore, #tpu.memory_space<semaphore_mem>>)
    %dma_wait3A_350 = arith.constant 7 : i32
    %dma_wait3A_351 = arith.constant 7 : i32
    %dma_wait3A_352 = arith.constant 7 : i32
    %dma_wait3A_353 = arith.constant 0 : i32
    %dma_wait3A_354 = arith.constant 0 : i32
    %dma_wait3A_355 = tpu.memref_slice %arg6[%dma_wait3A_351, %dma_wait3A_353, %dma_wait3A_354] : memref<8x64x128xf32, #tpu.memory_space<vmem>> -> memref<1x64x128xf32, #tpu.memory_space<vmem>>
    %dma_wait3A_356 = tpu.memref_squeeze %dma_wait3A_355 : memref<1x64x128xf32, #tpu.memory_space<vmem>> -> memref<64x128xf32, #tpu.memory_space<vmem>>
    %dma_wait3A_357 = arith.constant 0 : i32
    %dma_wait3A_358 = tpu.memref_slice %arg5[%dma_wait3A_350, %dma_wait3A_357] : memref<8x64xi32, #tpu.memory_space<vmem>> -> memref<1x64xi32, #tpu.memory_space<vmem>>
    %dma_wait3A_359 = tpu.memref_squeeze %dma_wait3A_358 : memref<1x64xi32, #tpu.memory_space<vmem>> -> memref<64xi32, #tpu.memory_space<vmem>>
    %dma_wait3A_360 = arith.constant 0 : i32
    %dma_wait3A_361 = arith.constant 0 : i32
    %dma_wait3A_362 = tpu.memref_slice %arg3[%dma_wait3A_360, %dma_wait3A_361] : memref<1001x128xf32, #tpu.memory_space<hbm>> -> memref<1001x128xf32, #tpu.memory_space<hbm>>
    %dma_wait3A_363 = tpu.memref_slice %arg7[%dma_wait3A_352] : memref<8x!tpu.dma_semaphore, #tpu.memory_space<semaphore_mem>> -> memref<1x!tpu.dma_semaphore, #tpu.memory_space<semaphore_mem>>
    %dma_wait3A_364 = tpu.memref_squeeze %dma_wait3A_363 : memref<1x!tpu.dma_semaphore, #tpu.memory_space<semaphore_mem>> -> memref<!tpu.dma_semaphore, #tpu.memory_space<semaphore_mem>>
    tpu.wait_indirect_dma semaphore(%dma_wait3A_364 : memref<!tpu.dma_semaphore, #tpu.memory_space<semaphore_mem>>) src(%dma_wait3A_362 : memref<1001x128xf32, #tpu.memory_space<hbm>>) dst(%dma_wait3A_356 : memref<64x128xf32, #tpu.memory_space<vmem>>)
    %dma_start3A_365 = arith.constant 7 : i32
    %dma_start3A_366 = arith.constant 7 : i32
    %dma_start3A_367 = arith.constant 0 : i32
    %dma_start3A_368 = arith.constant 0 : i32
    %dma_start3A_369 = tpu.memref_slice %arg6[%dma_start3A_365, %dma_start3A_367, %dma_start3A_368] : memref<8x64x128xf32, #tpu.memory_space<vmem>> -> memref<1x64x128xf32, #tpu.memory_space<vmem>>
    %dma_start3A_370 = tpu.memref_squeeze %dma_start3A_369 : memref<1x64x128xf32, #tpu.memory_space<vmem>> -> memref<64x128xf32, #tpu.memory_space<vmem>>
    %dma_start3A_371 = arith.constant 0 : i32
    %dma_start3A_372 = arith.constant 0 : i32
    %dma_start3A_373 = tpu.memref_slice %arg4[%add3A, %dma_start3A_366, %dma_start3A_371, %dma_start3A_372] : memref<32x8x64x128xf32, #tpu.memory_space<hbm>> -> memref<1x1x64x128xf32, #tpu.memory_space<hbm>>
    %dma_start3A_374 = tpu.memref_squeeze %dma_start3A_373 : memref<1x1x64x128xf32, #tpu.memory_space<hbm>> -> memref<64x128xf32, #tpu.memory_space<hbm>>
    %dma_start3A_375 = arith.constant 0 : i32
    %dma_start3A_376 = arith.constant 0 : i32
    %dma_start3A_377 = tpu.memref_slice %arg4[%add3A, %dma_start3A_366, %dma_start3A_375, %dma_start3A_376] : memref<32x8x64x128xf32, #tpu.memory_space<hbm>> -> memref<1x1x64x128xf32, #tpu.memory_space<hbm>>
    %dma_start3A_378 = tpu.memref_squeeze %dma_start3A_377 : memref<1x1x64x128xf32, #tpu.memory_space<hbm>> -> memref<64x128xf32, #tpu.memory_space<hbm>>
    %dma_start3A_379 = arith.constant 0 : i32
    %dma_start3A_380 = arith.constant 0 : i32
    %dma_start3A_381 = tpu.memref_slice %arg6[%dma_start3A_365, %dma_start3A_379, %dma_start3A_380] : memref<8x64x128xf32, #tpu.memory_space<vmem>> -> memref<1x64x128xf32, #tpu.memory_space<vmem>>
    %dma_start3A_382 = tpu.memref_squeeze %dma_start3A_381 : memref<1x64x128xf32, #tpu.memory_space<vmem>> -> memref<64x128xf32, #tpu.memory_space<vmem>>
    tpu.enqueue_dma source(%dma_start3A_382 : memref<64x128xf32, #tpu.memory_space<vmem>>) target(%dma_start3A_378 : memref<64x128xf32, #tpu.memory_space<hbm>>) target_semaphore(%arg8 : memref<!tpu.dma_semaphore, #tpu.memory_space<semaphore_mem>>)
    %dma_wait3A_383 = arith.constant 0 : i32
    %dma_wait3A_384 = arith.constant 0 : i32
    %dma_wait3A_385 = arith.constant 0 : i32
    %dma_wait3A_386 = arith.constant 0 : i32
    %dma_wait3A_387 = tpu.memref_slice %arg6[%dma_wait3A_383, %dma_wait3A_385, %dma_wait3A_386] : memref<8x64x128xf32, #tpu.memory_space<vmem>> -> memref<1x64x128xf32, #tpu.memory_space<vmem>>
    %dma_wait3A_388 = tpu.memref_squeeze %dma_wait3A_387 : memref<1x64x128xf32, #tpu.memory_space<vmem>> -> memref<64x128xf32, #tpu.memory_space<vmem>>
    %dma_wait3A_389 = arith.constant 0 : i32
    %dma_wait3A_390 = arith.constant 0 : i32
    %dma_wait3A_391 = tpu.memref_slice %arg4[%add3A, %dma_wait3A_384, %dma_wait3A_389, %dma_wait3A_390] : memref<32x8x64x128xf32, #tpu.memory_space<hbm>> -> memref<1x1x64x128xf32, #tpu.memory_space<hbm>>
    %dma_wait3A_392 = tpu.memref_squeeze %dma_wait3A_391 : memref<1x1x64x128xf32, #tpu.memory_space<hbm>> -> memref<64x128xf32, #tpu.memory_space<hbm>>
    %dma_wait3A_393 = arith.constant 0 : i32
    %dma_wait3A_394 = arith.constant 0 : i32
    %dma_wait3A_395 = tpu.memref_slice %arg4[%add3A, %dma_wait3A_384, %dma_wait3A_393, %dma_wait3A_394] : memref<32x8x64x128xf32, #tpu.memory_space<hbm>> -> memref<1x1x64x128xf32, #tpu.memory_space<hbm>>
    %dma_wait3A_396 = tpu.memref_squeeze %dma_wait3A_395 : memref<1x1x64x128xf32, #tpu.memory_space<hbm>> -> memref<64x128xf32, #tpu.memory_space<hbm>>
    %dma_wait3A_397 = arith.constant 0 : i32
    %dma_wait3A_398 = arith.constant 0 : i32
    %dma_wait3A_399 = tpu.memref_slice %arg6[%dma_wait3A_383, %dma_wait3A_397, %dma_wait3A_398] : memref<8x64x128xf32, #tpu.memory_space<vmem>> -> memref<1x64x128xf32, #tpu.memory_space<vmem>>
    %dma_wait3A_400 = tpu.memref_squeeze %dma_wait3A_399 : memref<1x64x128xf32, #tpu.memory_space<vmem>> -> memref<64x128xf32, #tpu.memory_space<vmem>>
    tpu.wait_dma2 semaphore(%arg8 : memref<!tpu.dma_semaphore, #tpu.memory_space<semaphore_mem>>) src(%dma_wait3A_400 : memref<64x128xf32, #tpu.memory_space<vmem>>) dst(%dma_wait3A_396 : memref<64x128xf32, #tpu.memory_space<hbm>>)
    %dma_wait3A_401 = arith.constant 1 : i32
    %dma_wait3A_402 = arith.constant 1 : i32
    %dma_wait3A_403 = arith.constant 0 : i32
    %dma_wait3A_404 = arith.constant 0 : i32
    %dma_wait3A_405 = tpu.memref_slice %arg6[%dma_wait3A_401, %dma_wait3A_403, %dma_wait3A_404] : memref<8x64x128xf32, #tpu.memory_space<vmem>> -> memref<1x64x128xf32, #tpu.memory_space<vmem>>
    %dma_wait3A_406 = tpu.memref_squeeze %dma_wait3A_405 : memref<1x64x128xf32, #tpu.memory_space<vmem>> -> memref<64x128xf32, #tpu.memory_space<vmem>>
    %dma_wait3A_407 = arith.constant 0 : i32
    %dma_wait3A_408 = arith.constant 0 : i32
    %dma_wait3A_409 = tpu.memref_slice %arg4[%add3A, %dma_wait3A_402, %dma_wait3A_407, %dma_wait3A_408] : memref<32x8x64x128xf32, #tpu.memory_space<hbm>> -> memref<1x1x64x128xf32, #tpu.memory_space<hbm>>
    %dma_wait3A_410 = tpu.memref_squeeze %dma_wait3A_409 : memref<1x1x64x128xf32, #tpu.memory_space<hbm>> -> memref<64x128xf32, #tpu.memory_space<hbm>>
    %dma_wait3A_411 = arith.constant 0 : i32
    %dma_wait3A_412 = arith.constant 0 : i32
    %dma_wait3A_413 = tpu.memref_slice %arg4[%add3A, %dma_wait3A_402, %dma_wait3A_411, %dma_wait3A_412] : memref<32x8x64x128xf32, #tpu.memory_space<hbm>> -> memref<1x1x64x128xf32, #tpu.memory_space<hbm>>
    %dma_wait3A_414 = tpu.memref_squeeze %dma_wait3A_413 : memref<1x1x64x128xf32, #tpu.memory_space<hbm>> -> memref<64x128xf32, #tpu.memory_space<hbm>>
    %dma_wait3A_415 = arith.constant 0 : i32
    %dma_wait3A_416 = arith.constant 0 : i32
    %dma_wait3A_417 = tpu.memref_slice %arg6[%dma_wait3A_401, %dma_wait3A_415, %dma_wait3A_416] : memref<8x64x128xf32, #tpu.memory_space<vmem>> -> memref<1x64x128xf32, #tpu.memory_space<vmem>>
    %dma_wait3A_418 = tpu.memref_squeeze %dma_wait3A_417 : memref<1x64x128xf32, #tpu.memory_space<vmem>> -> memref<64x128xf32, #tpu.memory_space<vmem>>
    tpu.wait_dma2 semaphore(%arg8 : memref<!tpu.dma_semaphore, #tpu.memory_space<semaphore_mem>>) src(%dma_wait3A_418 : memref<64x128xf32, #tpu.memory_space<vmem>>) dst(%dma_wait3A_414 : memref<64x128xf32, #tpu.memory_space<hbm>>)
    %dma_wait3A_419 = arith.constant 2 : i32
    %dma_wait3A_420 = arith.constant 2 : i32
    %dma_wait3A_421 = arith.constant 0 : i32
    %dma_wait3A_422 = arith.constant 0 : i32
    %dma_wait3A_423 = tpu.memref_slice %arg6[%dma_wait3A_419, %dma_wait3A_421, %dma_wait3A_422] : memref<8x64x128xf32, #tpu.memory_space<vmem>> -> memref<1x64x128xf32, #tpu.memory_space<vmem>>
    %dma_wait3A_424 = tpu.memref_squeeze %dma_wait3A_423 : memref<1x64x128xf32, #tpu.memory_space<vmem>> -> memref<64x128xf32, #tpu.memory_space<vmem>>
    %dma_wait3A_425 = arith.constant 0 : i32
    %dma_wait3A_426 = arith.constant 0 : i32
    %dma_wait3A_427 = tpu.memref_slice %arg4[%add3A, %dma_wait3A_420, %dma_wait3A_425, %dma_wait3A_426] : memref<32x8x64x128xf32, #tpu.memory_space<hbm>> -> memref<1x1x64x128xf32, #tpu.memory_space<hbm>>
    %dma_wait3A_428 = tpu.memref_squeeze %dma_wait3A_427 : memref<1x1x64x128xf32, #tpu.memory_space<hbm>> -> memref<64x128xf32, #tpu.memory_space<hbm>>
    %dma_wait3A_429 = arith.constant 0 : i32
    %dma_wait3A_430 = arith.constant 0 : i32
    %dma_wait3A_431 = tpu.memref_slice %arg4[%add3A, %dma_wait3A_420, %dma_wait3A_429, %dma_wait3A_430] : memref<32x8x64x128xf32, #tpu.memory_space<hbm>> -> memref<1x1x64x128xf32, #tpu.memory_space<hbm>>
    %dma_wait3A_432 = tpu.memref_squeeze %dma_wait3A_431 : memref<1x1x64x128xf32, #tpu.memory_space<hbm>> -> memref<64x128xf32, #tpu.memory_space<hbm>>
    %dma_wait3A_433 = arith.constant 0 : i32
    %dma_wait3A_434 = arith.constant 0 : i32
    %dma_wait3A_435 = tpu.memref_slice %arg6[%dma_wait3A_419, %dma_wait3A_433, %dma_wait3A_434] : memref<8x64x128xf32, #tpu.memory_space<vmem>> -> memref<1x64x128xf32, #tpu.memory_space<vmem>>
    %dma_wait3A_436 = tpu.memref_squeeze %dma_wait3A_435 : memref<1x64x128xf32, #tpu.memory_space<vmem>> -> memref<64x128xf32, #tpu.memory_space<vmem>>
    tpu.wait_dma2 semaphore(%arg8 : memref<!tpu.dma_semaphore, #tpu.memory_space<semaphore_mem>>) src(%dma_wait3A_436 : memref<64x128xf32, #tpu.memory_space<vmem>>) dst(%dma_wait3A_432 : memref<64x128xf32, #tpu.memory_space<hbm>>)
    %dma_wait3A_437 = arith.constant 3 : i32
    %dma_wait3A_438 = arith.constant 3 : i32
    %dma_wait3A_439 = arith.constant 0 : i32
    %dma_wait3A_440 = arith.constant 0 : i32
    %dma_wait3A_441 = tpu.memref_slice %arg6[%dma_wait3A_437, %dma_wait3A_439, %dma_wait3A_440] : memref<8x64x128xf32, #tpu.memory_space<vmem>> -> memref<1x64x128xf32, #tpu.memory_space<vmem>>
    %dma_wait3A_442 = tpu.memref_squeeze %dma_wait3A_441 : memref<1x64x128xf32, #tpu.memory_space<vmem>> -> memref<64x128xf32, #tpu.memory_space<vmem>>
    %dma_wait3A_443 = arith.constant 0 : i32
    %dma_wait3A_444 = arith.constant 0 : i32
    %dma_wait3A_445 = tpu.memref_slice %arg4[%add3A, %dma_wait3A_438, %dma_wait3A_443, %dma_wait3A_444] : memref<32x8x64x128xf32, #tpu.memory_space<hbm>> -> memref<1x1x64x128xf32, #tpu.memory_space<hbm>>
    %dma_wait3A_446 = tpu.memref_squeeze %dma_wait3A_445 : memref<1x1x64x128xf32, #tpu.memory_space<hbm>> -> memref<64x128xf32, #tpu.memory_space<hbm>>
    %dma_wait3A_447 = arith.constant 0 : i32
    %dma_wait3A_448 = arith.constant 0 : i32
    %dma_wait3A_449 = tpu.memref_slice %arg4[%add3A, %dma_wait3A_438, %dma_wait3A_447, %dma_wait3A_448] : memref<32x8x64x128xf32, #tpu.memory_space<hbm>> -> memref<1x1x64x128xf32, #tpu.memory_space<hbm>>
    %dma_wait3A_450 = tpu.memref_squeeze %dma_wait3A_449 : memref<1x1x64x128xf32, #tpu.memory_space<hbm>> -> memref<64x128xf32, #tpu.memory_space<hbm>>
    %dma_wait3A_451 = arith.constant 0 : i32
    %dma_wait3A_452 = arith.constant 0 : i32
    %dma_wait3A_453 = tpu.memref_slice %arg6[%dma_wait3A_437, %dma_wait3A_451, %dma_wait3A_452] : memref<8x64x128xf32, #tpu.memory_space<vmem>> -> memref<1x64x128xf32, #tpu.memory_space<vmem>>
    %dma_wait3A_454 = tpu.memref_squeeze %dma_wait3A_453 : memref<1x64x128xf32, #tpu.memory_space<vmem>> -> memref<64x128xf32, #tpu.memory_space<vmem>>
    tpu.wait_dma2 semaphore(%arg8 : memref<!tpu.dma_semaphore, #tpu.memory_space<semaphore_mem>>) src(%dma_wait3A_454 : memref<64x128xf32, #tpu.memory_space<vmem>>) dst(%dma_wait3A_450 : memref<64x128xf32, #tpu.memory_space<hbm>>)
    %dma_wait3A_455 = arith.constant 4 : i32
    %dma_wait3A_456 = arith.constant 4 : i32
    %dma_wait3A_457 = arith.constant 0 : i32
    %dma_wait3A_458 = arith.constant 0 : i32
    %dma_wait3A_459 = tpu.memref_slice %arg6[%dma_wait3A_455, %dma_wait3A_457, %dma_wait3A_458] : memref<8x64x128xf32, #tpu.memory_space<vmem>> -> memref<1x64x128xf32, #tpu.memory_space<vmem>>
    %dma_wait3A_460 = tpu.memref_squeeze %dma_wait3A_459 : memref<1x64x128xf32, #tpu.memory_space<vmem>> -> memref<64x128xf32, #tpu.memory_space<vmem>>
    %dma_wait3A_461 = arith.constant 0 : i32
    %dma_wait3A_462 = arith.constant 0 : i32
    %dma_wait3A_463 = tpu.memref_slice %arg4[%add3A, %dma_wait3A_456, %dma_wait3A_461, %dma_wait3A_462] : memref<32x8x64x128xf32, #tpu.memory_space<hbm>> -> memref<1x1x64x128xf32, #tpu.memory_space<hbm>>
    %dma_wait3A_464 = tpu.memref_squeeze %dma_wait3A_463 : memref<1x1x64x128xf32, #tpu.memory_space<hbm>> -> memref<64x128xf32, #tpu.memory_space<hbm>>
    %dma_wait3A_465 = arith.constant 0 : i32
    %dma_wait3A_466 = arith.constant 0 : i32
    %dma_wait3A_467 = tpu.memref_slice %arg4[%add3A, %dma_wait3A_456, %dma_wait3A_465, %dma_wait3A_466] : memref<32x8x64x128xf32, #tpu.memory_space<hbm>> -> memref<1x1x64x128xf32, #tpu.memory_space<hbm>>
    %dma_wait3A_468 = tpu.memref_squeeze %dma_wait3A_467 : memref<1x1x64x128xf32, #tpu.memory_space<hbm>> -> memref<64x128xf32, #tpu.memory_space<hbm>>
    %dma_wait3A_469 = arith.constant 0 : i32
    %dma_wait3A_470 = arith.constant 0 : i32
    %dma_wait3A_471 = tpu.memref_slice %arg6[%dma_wait3A_455, %dma_wait3A_469, %dma_wait3A_470] : memref<8x64x128xf32, #tpu.memory_space<vmem>> -> memref<1x64x128xf32, #tpu.memory_space<vmem>>
    %dma_wait3A_472 = tpu.memref_squeeze %dma_wait3A_471 : memref<1x64x128xf32, #tpu.memory_space<vmem>> -> memref<64x128xf32, #tpu.memory_space<vmem>>
    tpu.wait_dma2 semaphore(%arg8 : memref<!tpu.dma_semaphore, #tpu.memory_space<semaphore_mem>>) src(%dma_wait3A_472 : memref<64x128xf32, #tpu.memory_space<vmem>>) dst(%dma_wait3A_468 : memref<64x128xf32, #tpu.memory_space<hbm>>)
    %dma_wait3A_473 = arith.constant 5 : i32
    %dma_wait3A_474 = arith.constant 5 : i32
    %dma_wait3A_475 = arith.constant 0 : i32
    %dma_wait3A_476 = arith.constant 0 : i32
    %dma_wait3A_477 = tpu.memref_slice %arg6[%dma_wait3A_473, %dma_wait3A_475, %dma_wait3A_476] : memref<8x64x128xf32, #tpu.memory_space<vmem>> -> memref<1x64x128xf32, #tpu.memory_space<vmem>>
    %dma_wait3A_478 = tpu.memref_squeeze %dma_wait3A_477 : memref<1x64x128xf32, #tpu.memory_space<vmem>> -> memref<64x128xf32, #tpu.memory_space<vmem>>
    %dma_wait3A_479 = arith.constant 0 : i32
    %dma_wait3A_480 = arith.constant 0 : i32
    %dma_wait3A_481 = tpu.memref_slice %arg4[%add3A, %dma_wait3A_474, %dma_wait3A_479, %dma_wait3A_480] : memref<32x8x64x128xf32, #tpu.memory_space<hbm>> -> memref<1x1x64x128xf32, #tpu.memory_space<hbm>>
    %dma_wait3A_482 = tpu.memref_squeeze %dma_wait3A_481 : memref<1x1x64x128xf32, #tpu.memory_space<hbm>> -> memref<64x128xf32, #tpu.memory_space<hbm>>
    %dma_wait3A_483 = arith.constant 0 : i32
    %dma_wait3A_484 = arith.constant 0 : i32
    %dma_wait3A_485 = tpu.memref_slice %arg4[%add3A, %dma_wait3A_474, %dma_wait3A_483, %dma_wait3A_484] : memref<32x8x64x128xf32, #tpu.memory_space<hbm>> -> memref<1x1x64x128xf32, #tpu.memory_space<hbm>>
    %dma_wait3A_486 = tpu.memref_squeeze %dma_wait3A_485 : memref<1x1x64x128xf32, #tpu.memory_space<hbm>> -> memref<64x128xf32, #tpu.memory_space<hbm>>
    %dma_wait3A_487 = arith.constant 0 : i32
    %dma_wait3A_488 = arith.constant 0 : i32
    %dma_wait3A_489 = tpu.memref_slice %arg6[%dma_wait3A_473, %dma_wait3A_487, %dma_wait3A_488] : memref<8x64x128xf32, #tpu.memory_space<vmem>> -> memref<1x64x128xf32, #tpu.memory_space<vmem>>
    %dma_wait3A_490 = tpu.memref_squeeze %dma_wait3A_489 : memref<1x64x128xf32, #tpu.memory_space<vmem>> -> memref<64x128xf32, #tpu.memory_space<vmem>>
    tpu.wait_dma2 semaphore(%arg8 : memref<!tpu.dma_semaphore, #tpu.memory_space<semaphore_mem>>) src(%dma_wait3A_490 : memref<64x128xf32, #tpu.memory_space<vmem>>) dst(%dma_wait3A_486 : memref<64x128xf32, #tpu.memory_space<hbm>>)
    %dma_wait3A_491 = arith.constant 6 : i32
    %dma_wait3A_492 = arith.constant 6 : i32
    %dma_wait3A_493 = arith.constant 0 : i32
    %dma_wait3A_494 = arith.constant 0 : i32
    %dma_wait3A_495 = tpu.memref_slice %arg6[%dma_wait3A_491, %dma_wait3A_493, %dma_wait3A_494] : memref<8x64x128xf32, #tpu.memory_space<vmem>> -> memref<1x64x128xf32, #tpu.memory_space<vmem>>
    %dma_wait3A_496 = tpu.memref_squeeze %dma_wait3A_495 : memref<1x64x128xf32, #tpu.memory_space<vmem>> -> memref<64x128xf32, #tpu.memory_space<vmem>>
    %dma_wait3A_497 = arith.constant 0 : i32
    %dma_wait3A_498 = arith.constant 0 : i32
    %dma_wait3A_499 = tpu.memref_slice %arg4[%add3A, %dma_wait3A_492, %dma_wait3A_497, %dma_wait3A_498] : memref<32x8x64x128xf32, #tpu.memory_space<hbm>> -> memref<1x1x64x128xf32, #tpu.memory_space<hbm>>
    %dma_wait3A_500 = tpu.memref_squeeze %dma_wait3A_499 : memref<1x1x64x128xf32, #tpu.memory_space<hbm>> -> memref<64x128xf32, #tpu.memory_space<hbm>>
    %dma_wait3A_501 = arith.constant 0 : i32
    %dma_wait3A_502 = arith.constant 0 : i32
    %dma_wait3A_503 = tpu.memref_slice %arg4[%add3A, %dma_wait3A_492, %dma_wait3A_501, %dma_wait3A_502] : memref<32x8x64x128xf32, #tpu.memory_space<hbm>> -> memref<1x1x64x128xf32, #tpu.memory_space<hbm>>
    %dma_wait3A_504 = tpu.memref_squeeze %dma_wait3A_503 : memref<1x1x64x128xf32, #tpu.memory_space<hbm>> -> memref<64x128xf32, #tpu.memory_space<hbm>>
    %dma_wait3A_505 = arith.constant 0 : i32
    %dma_wait3A_506 = arith.constant 0 : i32
    %dma_wait3A_507 = tpu.memref_slice %arg6[%dma_wait3A_491, %dma_wait3A_505, %dma_wait3A_506] : memref<8x64x128xf32, #tpu.memory_space<vmem>> -> memref<1x64x128xf32, #tpu.memory_space<vmem>>
    %dma_wait3A_508 = tpu.memref_squeeze %dma_wait3A_507 : memref<1x64x128xf32, #tpu.memory_space<vmem>> -> memref<64x128xf32, #tpu.memory_space<vmem>>
    tpu.wait_dma2 semaphore(%arg8 : memref<!tpu.dma_semaphore, #tpu.memory_space<semaphore_mem>>) src(%dma_wait3A_508 : memref<64x128xf32, #tpu.memory_space<vmem>>) dst(%dma_wait3A_504 : memref<64x128xf32, #tpu.memory_space<hbm>>)
    %dma_wait3A_509 = arith.constant 7 : i32
    %dma_wait3A_510 = arith.constant 7 : i32
    %dma_wait3A_511 = arith.constant 0 : i32
    %dma_wait3A_512 = arith.constant 0 : i32
    %dma_wait3A_513 = tpu.memref_slice %arg6[%dma_wait3A_509, %dma_wait3A_511, %dma_wait3A_512] : memref<8x64x128xf32, #tpu.memory_space<vmem>> -> memref<1x64x128xf32, #tpu.memory_space<vmem>>
    %dma_wait3A_514 = tpu.memref_squeeze %dma_wait3A_513 : memref<1x64x128xf32, #tpu.memory_space<vmem>> -> memref<64x128xf32, #tpu.memory_space<vmem>>
    %dma_wait3A_515 = arith.constant 0 : i32
    %dma_wait3A_516 = arith.constant 0 : i32
    %dma_wait3A_517 = tpu.memref_slice %arg4[%add3A, %dma_wait3A_510, %dma_wait3A_515, %dma_wait3A_516] : memref<32x8x64x128xf32, #tpu.memory_space<hbm>> -> memref<1x1x64x128xf32, #tpu.memory_space<hbm>>
    %dma_wait3A_518 = tpu.memref_squeeze %dma_wait3A_517 : memref<1x1x64x128xf32, #tpu.memory_space<hbm>> -> memref<64x128xf32, #tpu.memory_space<hbm>>
    %dma_wait3A_519 = arith.constant 0 : i32
    %dma_wait3A_520 = arith.constant 0 : i32
    %dma_wait3A_521 = tpu.memref_slice %arg4[%add3A, %dma_wait3A_510, %dma_wait3A_519, %dma_wait3A_520] : memref<32x8x64x128xf32, #tpu.memory_space<hbm>> -> memref<1x1x64x128xf32, #tpu.memory_space<hbm>>
    %dma_wait3A_522 = tpu.memref_squeeze %dma_wait3A_521 : memref<1x1x64x128xf32, #tpu.memory_space<hbm>> -> memref<64x128xf32, #tpu.memory_space<hbm>>
    %dma_wait3A_523 = arith.constant 0 : i32
    %dma_wait3A_524 = arith.constant 0 : i32
    %dma_wait3A_525 = tpu.memref_slice %arg6[%dma_wait3A_509, %dma_wait3A_523, %dma_wait3A_524] : memref<8x64x128xf32, #tpu.memory_space<vmem>> -> memref<1x64x128xf32, #tpu.memory_space<vmem>>
    %dma_wait3A_526 = tpu.memref_squeeze %dma_wait3A_525 : memref<1x64x128xf32, #tpu.memory_space<vmem>> -> memref<64x128xf32, #tpu.memory_space<vmem>>
    tpu.wait_dma2 semaphore(%arg8 : memref<!tpu.dma_semaphore, #tpu.memory_space<semaphore_mem>>) src(%dma_wait3A_526 : memref<64x128xf32, #tpu.memory_space<vmem>>) dst(%dma_wait3A_522 : memref<64x128xf32, #tpu.memory_space<hbm>>)
    return
  }
}

</mosaic_0001>

<sc_bundles>
// kernel: kernel.3.cloned.1.call-start
scs
__scs_entry_jumppad:
0x0: {  	(pc) =	sbr.rel $0x88, $3  }
0x1: {  	(tag) =	ssettag $0x0;
	lr =	simm.s32 $0x1  }
0x2: {  	[smem:$0x3F9F] =	sst lr;
	_ =	strace $0xD0000000  }
0x3: {  	_ = 	snop  }
0x4: {  	_ = 	snop  }
0x5: {  	_ = 	snop  }
0x6: {  	_ = 	snop  }
0x7: {  	_ = 	snop  }
__scs_overlays_trampoline_lowered:
0x8: {  	[smem:$0x3FAE] =	sst s0  }
0x9: {  	[smem:$0x3FAF] =	sst s1  }
0xa: {  	[smem:$0x3FB0] =	sst s2  }
0xb: {  	[smem:$0x3FB1] =	sst s3  }
0xc: {  	[smem:$0x3FB2] =	sst s4  }
0xd: {  	[smem:$0x3FB3] =	sst s5  }
0xe: {  	[smem:$0x3FB4] =	sst s6  }
0xf: {  	[smem:$0x3FB5] =	sst s7  }
0x10: {  	[smem:$0x3FB6] =	sst s8  }
0x11: {  	[smem:$0x3FB7] =	sst s9;
	s0 =	simm.s32 @!p0 $0x0  }
0x12: {  	s1 =	sld [smem:$0x3F9D];
	s0 =	simm.s32 @p0 $0x1  }
0x13: {  	[smem:$0x3FB8] =	sst s0;
	s0 =	simm.s32 @!p1 $0x0  }
0x14: {  	s2 =	sld [smem:$0x3F9C];
	s0 =	simm.s32 @p1 $0x1  }
0x15: {  	[smem:$0x3FB9] =	sst s0;
	s0 =	simm.s32 @!p2 $0x0  }
0x16: {  	s3 =	sld [smem:$0x3FDB];
	s0 =	simm.s32 @p2 $0x1  }
0x17: {  	s4 =	simm.s32 $0x1BF5;
	[smem:$0x3FBB] =	sst s0  }
0x18: {  	s0 =	sld [smem:$0x3F9E];
	_ =	swait.ge [sflag:s4], $0x0  }
0x19: {  	s7 =	sld [smem:$0x3F9F]  }
0x1a: {  	s8 =	sadd.s32 $0xFFFFE003, lr  }
0x1b: {  	s9 =	sadd.s32 $0xFFFFFEF7, lr;
	s5 =	simm.s32 $0xFFFFFFFF;
	p2 =	slt.u32 s8, $0xFFFFF086  }
0x1c: {  	p1 =	slt.u32 s9, $0xF7A;
	s5 =	simm.s32 @!p2 $0x0  }
0x1d: {  	s5 =	simm.s32 @p1 $0x1;
	p0 =	seq.s32 s7, s2  }
0x1e: {  	s7 =	smul.u32 @!p0 $0xF7A, s2;
	p2 =	seq.s32 @!p0 s5, $0x0  }
0x1f: {  	s9 =	smul.u32 $0xF7A, s1;
	s8 =	simm.s32 @!p0 $0x1BF5;
	p2 =	por !p2, p0  }
0x20: {  	[sflag:s8] =	ssyncset.s32 @!p0 $0xFFFFF086;
	s6 =	sadd.s32 @!p0 s3, s7;
	s7 =	simm.s32 @!p0 $0x108  }
0x21: {  	s3 =	sadd.s32 s3, s9;
	s6 =	sadd.s32 @!p0 $0x88, s6;
	s7 =	simm.s32 @p2 $0x1082  }
0x22: {  	[simem:s7], [sflag:s8] =	dma.local @!p0 [hbm:s6], $0xF7A  }
0x23: {  	s9 =	sor.u32 $0xD0000000, s2;
	s6 =	simm.s32 $0x108;
	_ =	swait.ge @!p0 [sflag:s8], $0x0  }
0x24: {  	s3 =	sadd.s32 $0x88, s3;
	s6 =	simm.s32 @!p1 $0x1082;
	[sflag:s4] =	ssyncset.s32 $0xFFFFF086  }
0x25: {  	[simem:s6], [sflag:s4] =	dma.local [hbm:s3], $0xF7A  }
0x26: {  	[smem:$0x3F9F] =	sst s1;
	(tag) =	ssettag s2;
	_ =	strace s9  }
0x27: {  	s1 =	sld [smem:$0x3FAF]  }
0x28: {  	s2 =	sld [smem:$0x3FB0]  }
0x29: {  	s4 =	sld [smem:$0x3FB2]  }
0x2a: {  	p0 =	seq.s32 s5, $0x0;
	s5 =	sld [smem:$0x3FB3]  }
0x2b: {  	s6 =	sld [smem:$0x3FB4]  }
0x2c: {  	s7 =	sld [smem:$0x3FB5]  }
0x2d: {  	s3 =	simm.s32 $0x108;
	s8 =	sld [smem:$0x3FB6]  }
0x2e: {  	s3 =	simm.s32 @!p0 $0x1082;
	s9 =	sld [smem:$0x3FB7]  }
0x2f: {  	lr =	sadd.s32 s0, s3;
	s0 =	sld [smem:$0x3FAE]  }
0x30: {  	s3 =	sld [smem:$0x3FB1]  }
0x31: {  	[smem:$0x3FBA] =	sst s10  }
0x32: {  	s10 =	sld [smem:$0x3FB8];
	_ =	sdelay $0x3  }
0x33: {  	p0 =	seq.s32 s10, $0x1;
	s10 =	sld [smem:$0x3FBA];
	_ =	sdelay $0x3  }
0x34: {  	[smem:$0x3FBA] =	sst s10  }
0x35: {  	s10 =	sld [smem:$0x3FB9];
	_ =	sdelay $0x3  }
0x36: {  	p1 =	seq.s32 s10, $0x1;
	s10 =	sld [smem:$0x3FBA];
	_ =	sdelay $0x3  }
0x37: {  	[smem:$0x3FBA] =	sst s10  }
0x38: {  	s10 =	sld [smem:$0x3FBB]  }
0x39: {  	_ = 	snop;
	(pc) =	sbr.ind lr, $3  }
0x3a: {  	_ = 	snop  }
0x3b: {  	_ = 	snop  }
0x3c: {  	p2 =	seq.s32 s10, $0x1;
	s10 =	sld [smem:$0x3FBA]  }
0x3d: {  	_ =	shalt  }
0x3e: {  	_ =	shalt  }
0x3f: {  	_ =	shalt  }
0x40: {  	_ =	shalt  }
0x41: {  	_ =	shalt  }
0x42: {  	_ =	shalt  }
0x43: {  	_ =	shalt  }
0x44: {  	_ =	shalt  }
0x45: {  	_ =	shalt  }
0x46: {  	_ =	shalt  }
0x47: {  	_ =	shalt  }
0x48: {  	_ =	shalt  }
0x49: {  	_ =	shalt  }
0x4a: {  	_ =	shalt  }
0x4b: {  	_ =	shalt  }
0x4c: {  	_ =	shalt  }
0x4d: {  	_ =	shalt  }
0x4e: {  	_ =	shalt  }
0x4f: {  	_ =	shalt  }
0x50: {  	_ =	shalt  }
0x51: {  	_ =	shalt  }
0x52: {  	_ =	shalt  }
0x53: {  	_ =	shalt  }
0x54: {  	_ =	shalt  }
0x55: {  	_ =	shalt  }
0x56: {  	_ =	shalt  }
0x57: {  	_ =	shalt  }
0x58: {  	_ =	shalt  }
0x59: {  	_ =	shalt  }
0x5a: {  	_ =	shalt  }
0x5b: {  	_ =	shalt  }
0x5c: {  	_ =	shalt  }
0x5d: {  	_ =	shalt  }
0x5e: {  	_ =	shalt  }
0x5f: {  	_ =	shalt  }
0x60: {  	_ =	shalt  }
0x61: {  	_ =	shalt  }
0x62: {  	_ =	shalt  }
0x63: {  	_ =	shalt  }
0x64: {  	_ =	shalt  }
0x65: {  	_ =	shalt  }
0x66: {  	_ =	shalt  }
0x67: {  	_ =	shalt  }
0x68: {  	_ =	shalt  }
0x69: {  	_ =	shalt  }
0x6a: {  	_ =	shalt  }
0x6b: {  	_ =	shalt  }
0x6c: {  	_ =	shalt  }
0x6d: {  	_ =	shalt  }
0x6e: {  	_ =	shalt  }
0x6f: {  	_ =	shalt  }
0x70: {  	_ =	shalt  }
0x71: {  	_ =	shalt  }
0x72: {  	_ =	shalt  }
0x73: {  	_ =	shalt  }
0x74: {  	_ =	shalt  }
0x75: {  	_ =	shalt  }
0x76: {  	_ =	shalt  }
0x77: {  	_ =	shalt  }
0x78: {  	_ =	shalt  }
0x79: {  	_ =	shalt  }
0x7a: {  	_ =	shalt  }
0x7b: {  	_ =	shalt  }
0x7c: {  	_ =	shalt  }
0x7d: {  	_ =	shalt  }
0x7e: {  	_ =	shalt  }
0x7f: {  	_ =	shalt  }
0x80: {  	_ =	shalt  }
0x81: {  	_ =	shalt  }
0x82: {  	_ =	shalt  }
0x83: {  	_ =	shalt  }
0x84: {  	_ =	shalt  }
0x85: {  	_ =	shalt  }
0x86: {  	_ =	shalt  }
0x87: {  	_ =	shalt  }
.Lfunc_end0:
.L_simem_size_0:
called_computation_lowered:
.L_overlay_start_0:
0x88: {  	s2 =	sld [smem:$0x3FD9]  }
0x89: {  	s3 =	sld [smem:$0x3FFE];
	_ =	sdelay $0x1  }
0x8a: {  	s1 =	srdreg.scid  }
0x8b: {  	s0 =	sand.u32 $0x1, s1  }
0x8c: {  	s17 =	sshll.u32 s0, $0xA;
	s2 =	sadd.s32 s3, s2  }
0x8d: {  	s2 =	sadd.s32 s2, s17  }
0x8e: {  	[smem:$0x3FC6] =	sst s2  }
0x8f: {  	_ = 	snop  }
0x90: {  	s2 =	sld [smem:$0x3FC8]  }
0x91: {  	s18 =	sld [smem:$0x3FD0];
	(tm) =	ssettm $0x1  }
0x92: {  	s4 =	sld [smem:$0x3FFB];
	_ =	sdelay $0x3  }
0x93: {  	_ =	strace s4  }
0x94: {  	s4 =	sld [smem:$0x3FFC];
	_ =	sdelay $0x3  }
0x95: {  	_ =	strace s4  }
0x96: {  	s4 =	sld [smem:$0x3FFD];
	_ =	sdelay $0x3  }
0x97: {  	_ =	strace s4  }
0x98: {  	_ =	strace $0x8FFFFFFF  }
0x99: {  	s19 =	sld [smem:$0x3FDB];
	_ =	sdelay $0x1  }
0x9a: {  	s5 =	simm.s32 $_scs_section_size  }
0x9b: {  	s6 =	simm.s32 $_size__tile_overlayer_lowered;
	s7 =	simm.s32 $_tile_overlayer_lowered  }
0x9c: {  	s22 =	simm.s32 $0x1BFF;
	s21 =	sshll.u32 s7, $0x1;
	s4 =	sadd.s32 s5, s19  }
0x9d: {  	s8 =	simm.s32 $0x0;
	s20 =	sshll.u32 s6, $0x1;
	s6 =	sadd.s32 s21, s4  }
0x9e: {  	[timem:s8], [sflag:s22] =	dma.local [hbm:s6], s20  }
0x9f: {  	_ =	swait.ge [sflag:s22], s20  }
0xa0: {  	s5 =	ssub.s32 $0x0, s20;
	[sflag:s22] =	ssyncset.done $0x0  }
0xa1: {  	[sflag:s22] =	ssyncadd.s32 s5;
	_ =	sdelay $0x1  }
0xa2: {  	s23 =	simm.s32 $0x1B8B  }
0xa3: {  	_ =	swait.ge [sflag:s23], $0x1  }
0xa4: {  	[sflag:s23] =	ssyncset.done $0x0  }
0xa5: {  	s25 =	simm.s32 $0x1B8E;
	s24 =	sld [smem:$0x3FFE];
	[sflag:s23] =	ssyncadd.s32 $0xFFFFFFFF  }
0xa6: {  	s26 =	simm.s32 $execute0_lowered;
	[smem:$0x3FD2] =	sst s25  }
0xa7: {  	s6 =	sshll.u32 s26, $0x1;
	_ =	strace $0x80000046;
	[dreg:$0x1] =	wrdreg $0xFFFFFFFF  }
0xa8: {  	s28 =	simm.s32 $_size_execute0_lowered;
	s4 =	sadd.s32 s4, s6;
	[dreg:$0x0] =	wrdreg $0x0  }
0xa9: {  	s6 =	sshll.u32 s28, $0x1;
	[dreg:$0x2] =	wrdreg s4  }
0xaa: {  	[dreg:$0x3] =	wrdreg s6  }
0xab: {  	[dreg:$0x4] =	wrdreg $0xC0  }
0xac: {  	_ =	task [dreg:s8], $0x5FFFF  }
0xad: {  	[dreg:$0x1] =	wrdreg $0xFFFFFFFF  }
0xae: {  	[dreg:$0x0] =	wrdreg $0x60  }
0xaf: {  	[dreg:$0x2] =	wrdreg s24  }
0xb0: {  	[dreg:$0x3] =	wrdreg s2  }
0xb1: {  	[dreg:$0x4] =	wrdreg s18  }
0xb2: {  	[dreg:$0x5] =	wrdreg $0x9  }
0xb3: {  	_ =	task.clear_ibuf [dreg:s8], $0x6FFFF;
	_ =	strace $0x90000046  }
0xb4: {  	s29 =	simm.s32 $0x9;
	_ =	strace $0x80000048  }
0xb5: {  	_ =	swait.ge [sflag:s29], $0x1  }
0xb6: {  	[sflag:s29] =	ssyncadd.s32 $0xFFFFFFFF  }
0xb7: {  	_ =	strace $0x90000048  }
0xb8: {  	_ =	sfence  }
0xb9: {  	s30 =	sld [smem:$0x0];
	_ =	sdelay $0x2  }
0xba: {  	s31 =	sshll.u32 s1, $0xD;
	s1 =	sshrl.u32 s1, $0x2  }
0xbb: {  	s3 =	sand.u32 $0x4000, s31;
	s1 =	sadd.s32 s1, s30  }
0xbc: {  	s0 =	sor.u32 s3, s0;
	s1 =	sshll.u32 s1, $0x11  }
0xbd: {  	s0 =	sor.u32 s1, s0  }
0xbe: {  	s0 =	sadd.s32 $0x8F2B, s0  }
0xbf: {  	[sflag:s0] =	ssyncadd.remote.s32 $0x1  }
0xc0: {  	_ =	sfence.sel $0xFFFF  }
0xc1: {  	[dreg:$0x0] =	wrdreg $0xFFFFFFFF;
	(pc) =	sbr.abs _section_cstart, $3  }
0xc2: {  	[dreg:$0x1] =	wrdreg $0xFFFFFFFF  }
0xc3: {  	_ =	task.clear_ibuf [dreg:s8], $0x2FFFF;
	_ =	strace $0x9FFFFFFF  }
0xc4: {  	(tm) =	ssettm $0x7FFFFFFF  }
0xc5: {  	_ =	shalt  }
tec
execute0_lowered:
.L_overlay_start_1:
0x0: {  	(tag) =	ssettag $0x1  }
0x1: {  	s0 =	rddreg [dreg:$0x0]  }
0x2: {  	s1 =	srdreg.scid;
	s4 =	rddreg [dreg:$0x1]  }
0x3: {  	s2 =	stileid.u32;
	s3 =	rddreg [dreg:$0x2];
	s21 =	simm.s32 $0xA  }
0x4: {  	s22 =	simm.s32 $0x80;
	s23 =	simm.s32 $0x100;
	s25 =	simm.s32 $0x180  }
0x5: {  	s10 =	simm.s32 $0x6400;
	s26 =	simm.s32 $0x200;
	s9 =	simm.s32 $0x8400  }
0x6: {  	s28 =	simm.s32 $0x280;
	s8 =	simm.s32 $0xA400;
	s29 =	simm.s32 $0x300  }
0x7: {  	s7 =	simm.s32 $0xC400;
	s31 =	simm.s32 $0x380;
	s30 =	simm.s32 $0x1  }
0x8: {  	s24 =	simm.s32 $0x2;
	s1 =	sand.u32 $0x1, s1;
	s2 =	sshll.u32 s2, $0x1  }
0x9: {  	s20 =	simm.s32 $0x3;
	p0 =	por $0x0, $0x0;
	s5 =	sor.u32 s1, s2  }
0xa: {  	s2 =	simm.s32 $0x0;
	s1 =	ssub.s32 $0x2, s1;
	s6 =	sshll.u32 s5, $0x7  }
0xb: {  	[smem:$0x7FF] =	sst s2;
	s5 =	sshll.u32 s5, $0xD;
	s0 =	sadd.s32 s6, s0  }
0xc: {  	s16 =	sshrl.u32 s1, $0x1;
	s5 =	sadd.s32 s3, s5;
	s0 =	sadd.s32 $0x400, s0  }
0xd: {  	_ =	strace $0x80000047;
	s11 =	sadd.s32 $0x400, s5;
	[dreg:$0x4] =	wrdreg s0  }
0xe: {  	s1 =	ssub.s32 s1, s16;
	s12 =	sadd.s32 $0x800, s5;
	[dreg:$0x5] =	wrdreg s11  }
0xf: {  	s16 =	simm.s32 $0x400;
	s13 =	sadd.s32 $0xC00, s5;
	[dreg:$0x6] =	wrdreg s12  }
0x10: {  	s6 =	simm.s32 $0xE400;
	s14 =	sadd.s32 $0x1000, s5;
	[dreg:$0x7] =	wrdreg s13  }
0x11: {  	s15 =	sadd.s32 $0x1400, s5;
	s19 =	smax.u32 s1, $0x1;
	[dreg:$0x8] =	wrdreg s14  }
0x12: {  	s17 =	sadd.s32 $0x1800, s5;
	[dreg:$0x9] =	wrdreg s15;
	p1 =	sne.s32 s19, $0x1  }
.Ltmp0:
0x13: {  	s18 =	sadd.s32 $0x1C00, s5;
	[dreg:$0xa] =	wrdreg s17;
	(pc) =	sbr.rel @!p1 .LBB2_3-.Ltmp0, $4  }
0x14: {  	s3 =	simm.s32 $0x9;
	[dreg:$0xb] =	wrdreg s18;
	s17 =	simm.s32 $0x40  }
0x15: {  	s14 =	simm.s32 $0x2400;
	s12 =	simm.s32 $0x4400;
	s1 =	sadd.s32 $0xFFFFFFFF, s19  }
0x16: {  	s19 =	simm.s32 $0x4;
	s18 =	simm.s32 $0x5;
	s15 =	simm.s32 $0x6  }
0x17: {  	s13 =	simm.s32 $0x7;
	s11 =	simm.s32 $0x8;
	s0 =	rddreg [dreg:$0x4]  }
0x18: {  	[tilespmem:s2], [sflag:$0xA] =	stream.linear.gather [hbm4b:s0+s2], $0x400, $0x38;
	[tilespmem:$0x10400] =	vst v63  }
0x19: {  	_ =	swait.ge [sflag:s21], $0x400  }
0x1a: {  	[sflag:s21] =	ssyncset.done $0x0  }
0x1b: {  	[sflag:s21] =	ssyncadd.s32 $0xFFFFFC00  }
0x1c: {  	[tilespmem:s16], [sflag:$0x1] =	stream.indirect.gather [hbm4b:s4+s17], $0x80, s2, s17, $0xb8;
	[tilespmem:$0x10400] =	vst v63  }
0x1d: {  	_ = 	snop  }
0x1e: {  	[tilespmem:s14], [sflag:$0x2] =	stream.indirect.gather [hbm4b:s4+s17], $0x80, s22, s17, $0xb8;
	[tilespmem:$0x10400] =	vst v63  }
0x1f: {  	_ = 	snop  }
0x20: {  	[tilespmem:s12], [sflag:$0x3] =	stream.indirect.gather [hbm4b:s4+s17], $0x80, s23, s17, $0xb8;
	[tilespmem:$0x10400] =	vst v63  }
0x21: {  	_ = 	snop  }
0x22: {  	[tilespmem:s10], [sflag:$0x4] =	stream.indirect.gather [hbm4b:s4+s17], $0x80, s25, s17, $0xb8;
	[tilespmem:$0x10400] =	vst v63  }
0x23: {  	_ = 	snop  }
0x24: {  	[tilespmem:s9], [sflag:$0x5] =	stream.indirect.gather [hbm4b:s4+s17], $0x80, s26, s17, $0xb8;
	[tilespmem:$0x10400] =	vst v63  }
0x25: {  	_ = 	snop  }
0x26: {  	[tilespmem:s8], [sflag:$0x6] =	stream.indirect.gather [hbm4b:s4+s17], $0x80, s28, s17, $0xb8;
	[tilespmem:$0x10400] =	vst v63  }
0x27: {  	_ = 	snop  }
0x28: {  	[tilespmem:s7], [sflag:$0x7] =	stream.indirect.gather [hbm4b:s4+s17], $0x80, s29, s17, $0xb8;
	[tilespmem:$0x10400] =	vst v63  }
0x29: {  	_ = 	snop  }
0x2a: {  	[tilespmem:s6], [sflag:$0x8] =	stream.indirect.gather [hbm4b:s4+s17], $0x80, s31, s17, $0xb8;
	[tilespmem:$0x10400] =	vst v63  }
0x2b: {  	_ =	swait.ge [sflag:s30], $0x2000  }
0x2c: {  	[sflag:s30] =	ssyncset.done $0x0  }
0x2d: {  	[sflag:s30] =	ssyncadd.s32 $0xFFFFE000  }
0x2e: {  	[hbm4b:s5+s2] =	stream.linear.scatter [tilespmem:s16], [sflag:$0x9], $0x2000, $0x38;
	[tilespmem:$0x10400] =	vst v63  }
0x2f: {  	_ =	swait.ge [sflag:s24], $0x2000  }
0x30: {  	[sflag:s24] =	ssyncset.done $0x0  }
0x31: {  	s0 =	rddreg [dreg:$0x5];
	[sflag:s24] =	ssyncadd.s32 $0xFFFFE000  }
0x32: {  	[hbm4b:s0+s2] =	stream.linear.scatter [tilespmem:s14], [sflag:$0x9], $0x2000, $0x38;
	[tilespmem:$0x10400] =	vst v63  }
0x33: {  	_ =	swait.ge [sflag:s20], $0x2000  }
0x34: {  	[sflag:s20] =	ssyncset.done $0x0  }
0x35: {  	s0 =	rddreg [dreg:$0x6];
	[sflag:s20] =	ssyncadd.s32 $0xFFFFE000  }
0x36: {  	[hbm4b:s0+s2] =	stream.linear.scatter [tilespmem:s12], [sflag:$0x9], $0x2000, $0x38;
	[tilespmem:$0x10400] =	vst v63  }
0x37: {  	_ =	swait.ge [sflag:s19], $0x2000  }
0x38: {  	[sflag:s19] =	ssyncset.done $0x0  }
0x39: {  	s0 =	rddreg [dreg:$0x7];
	[sflag:s19] =	ssyncadd.s32 $0xFFFFE000  }
0x3a: {  	[hbm4b:s0+s2] =	stream.linear.scatter [tilespmem:s10], [sflag:$0x9], $0x2000, $0x38;
	[tilespmem:$0x10400] =	vst v63  }
0x3b: {  	_ =	swait.ge [sflag:s18], $0x2000  }
0x3c: {  	[sflag:s18] =	ssyncset.done $0x0  }
0x3d: {  	s0 =	rddreg [dreg:$0x8];
	[sflag:s18] =	ssyncadd.s32 $0xFFFFE000  }
0x3e: {  	[hbm4b:s0+s2] =	stream.linear.scatter [tilespmem:s9], [sflag:$0x9], $0x2000, $0x38;
	[tilespmem:$0x10400] =	vst v63  }
0x3f: {  	_ =	swait.ge [sflag:s15], $0x2000  }
0x40: {  	[sflag:s15] =	ssyncset.done $0x0  }
0x41: {  	s0 =	rddreg [dreg:$0x9];
	[sflag:s15] =	ssyncadd.s32 $0xFFFFE000  }
0x42: {  	[hbm4b:s0+s2] =	stream.linear.scatter [tilespmem:s8], [sflag:$0x9], $0x2000, $0x38;
	[tilespmem:$0x10400] =	vst v63  }
0x43: {  	_ =	swait.ge [sflag:s13], $0x2000  }
0x44: {  	[sflag:s13] =	ssyncset.done $0x0  }
0x45: {  	s0 =	rddreg [dreg:$0xa];
	[sflag:s13] =	ssyncadd.s32 $0xFFFFE000  }
0x46: {  	[hbm4b:s0+s2] =	stream.linear.scatter [tilespmem:s7], [sflag:$0x9], $0x2000, $0x38;
	[tilespmem:$0x10400] =	vst v63  }
0x47: {  	_ =	swait.ge [sflag:s11], $0x2000  }
0x48: {  	[sflag:s11] =	ssyncset.done $0x0  }
0x49: {  	s0 =	rddreg [dreg:$0xb];
	[sflag:s11] =	ssyncadd.s32 $0xFFFFE000  }
0x4a: {  	[hbm4b:s0+s2] =	stream.linear.scatter [tilespmem:s6], [sflag:$0x9], $0x2000, $0x38;
	[tilespmem:$0x10400] =	vst v63  }
0x4b: {  	_ =	swait.ge [sflag:s3], $0x2000  }
0x4c: {  	[sflag:s3] =	ssyncset.done $0x0  }
0x4d: {  	[sflag:s3] =	ssyncadd.s32 $0xFFFFE000  }
0x4e: {  	_ =	swait.ge [sflag:s3], $0x2000  }
0x4f: {  	[sflag:s3] =	ssyncset.done $0x0  }
0x50: {  	[sflag:s3] =	ssyncadd.s32 $0xFFFFE000  }
0x51: {  	_ =	swait.ge [sflag:s3], $0x2000  }
0x52: {  	[sflag:s3] =	ssyncset.done $0x0  }
0x53: {  	[sflag:s3] =	ssyncadd.s32 $0xFFFFE000  }
0x54: {  	_ =	swait.ge [sflag:s3], $0x2000  }
0x55: {  	[sflag:s3] =	ssyncset.done $0x0  }
0x56: {  	[sflag:s3] =	ssyncadd.s32 $0xFFFFE000  }
0x57: {  	_ =	swait.ge [sflag:s3], $0x2000  }
0x58: {  	[sflag:s3] =	ssyncset.done $0x0  }
0x59: {  	[sflag:s3] =	ssyncadd.s32 $0xFFFFE000  }
0x5a: {  	_ =	swait.ge [sflag:s3], $0x2000  }
0x5b: {  	[sflag:s3] =	ssyncset.done $0x0  }
0x5c: {  	p1 =	sne.s32 s1, $0x1;
	[sflag:s3] =	ssyncadd.s32 $0xFFFFE000  }
.Ltmp1:
0x5d: {  	_ =	swait.ge [sflag:s3], $0x2000;
	(pc) =	sbr.rel @!p1 .LBB2_3-.Ltmp1, $4  }
0x5e: {  	[sflag:s3] =	ssyncset.done $0x0  }
0x5f: {  	[sflag:s3] =	ssyncadd.s32 $0xFFFFE000  }
0x60: {  	s1 =	sadd.s32 $0xFFFFFFFF, s1;
	_ =	swait.ge [sflag:s3], $0x2000  }
0x61: {  	p0 =	por $0x1, $0x1;
	s0 =	rddreg [dreg:$0x4];
	[sflag:s3] =	ssyncset.done $0x0  }
.LBB2_2:
0x62: {  	[sflag:s3] =	ssyncadd.s32 $0xFFFFE000  }
0x63: {  	[tilespmem:s2], [sflag:$0xA] =	stream.linear.gather [hbm4b:s0+s2], $0x400, $0x38;
	[tilespmem:$0x10400] =	vst v63  }
0x64: {  	_ =	swait.ge [sflag:s21], $0x400  }
0x65: {  	[sflag:s21] =	ssyncset.done $0x0  }
0x66: {  	[sflag:s21] =	ssyncadd.s32 $0xFFFFFC00  }
0x67: {  	[tilespmem:s16], [sflag:$0x1] =	stream.indirect.gather [hbm4b:s4+s17], $0x80, s2, s17, $0xb8;
	[tilespmem:$0x10400] =	vst v63  }
0x68: {  	_ = 	snop  }
0x69: {  	[tilespmem:s14], [sflag:$0x2] =	stream.indirect.gather [hbm4b:s4+s17], $0x80, s22, s17, $0xb8;
	[tilespmem:$0x10400] =	vst v63  }
0x6a: {  	_ = 	snop  }
0x6b: {  	[tilespmem:s12], [sflag:$0x3] =	stream.indirect.gather [hbm4b:s4+s17], $0x80, s23, s17, $0xb8;
	[tilespmem:$0x10400] =	vst v63  }
0x6c: {  	_ = 	snop  }
0x6d: {  	[tilespmem:s10], [sflag:$0x4] =	stream.indirect.gather [hbm4b:s4+s17], $0x80, s25, s17, $0xb8;
	[tilespmem:$0x10400] =	vst v63  }
0x6e: {  	_ = 	snop  }
0x6f: {  	[tilespmem:s9], [sflag:$0x5] =	stream.indirect.gather [hbm4b:s4+s17], $0x80, s26, s17, $0xb8;
	[tilespmem:$0x10400] =	vst v63  }
0x70: {  	_ = 	snop  }
0x71: {  	[tilespmem:s8], [sflag:$0x6] =	stream.indirect.gather [hbm4b:s4+s17], $0x80, s28, s17, $0xb8;
	[tilespmem:$0x10400] =	vst v63  }
0x72: {  	_ = 	snop  }
0x73: {  	[tilespmem:s7], [sflag:$0x7] =	stream.indirect.gather [hbm4b:s4+s17], $0x80, s29, s17, $0xb8;
	[tilespmem:$0x10400] =	vst v63  }
0x74: {  	_ = 	snop  }
0x75: {  	[tilespmem:s6], [sflag:$0x8] =	stream.indirect.gather [hbm4b:s4+s17], $0x80, s31, s17, $0xb8;
	[tilespmem:$0x10400] =	vst v63  }
0x76: {  	_ =	swait.ge [sflag:s30], $0x2000  }
0x77: {  	[sflag:s30] =	ssyncset.done $0x0  }
0x78: {  	[sflag:s30] =	ssyncadd.s32 $0xFFFFE000  }
0x79: {  	[hbm4b:s5+s2] =	stream.linear.scatter [tilespmem:s16], [sflag:$0x9], $0x2000, $0x38;
	[tilespmem:$0x10400] =	vst v63  }
0x7a: {  	_ =	swait.ge [sflag:s24], $0x2000  }
0x7b: {  	[sflag:s24] =	ssyncset.done $0x0  }
0x7c: {  	s0 =	rddreg [dreg:$0x5];
	[sflag:s24] =	ssyncadd.s32 $0xFFFFE000  }
0x7d: {  	[hbm4b:s0+s2] =	stream.linear.scatter [tilespmem:s14], [sflag:$0x9], $0x2000, $0x38;
	[tilespmem:$0x10400] =	vst v63  }
0x7e: {  	_ =	swait.ge [sflag:s20], $0x2000  }
0x7f: {  	[sflag:s20] =	ssyncset.done $0x0  }
0x80: {  	s0 =	rddreg [dreg:$0x6];
	[sflag:s20] =	ssyncadd.s32 $0xFFFFE000  }
0x81: {  	[hbm4b:s0+s2] =	stream.linear.scatter [tilespmem:s12], [sflag:$0x9], $0x2000, $0x38;
	[tilespmem:$0x10400] =	vst v63  }
0x82: {  	_ =	swait.ge [sflag:s19], $0x2000  }
0x83: {  	[sflag:s19] =	ssyncset.done $0x0  }
0x84: {  	s0 =	rddreg [dreg:$0x7];
	[sflag:s19] =	ssyncadd.s32 $0xFFFFE000  }
0x85: {  	[hbm4b:s0+s2] =	stream.linear.scatter [tilespmem:s10], [sflag:$0x9], $0x2000, $0x38;
	[tilespmem:$0x10400] =	vst v63  }
0x86: {  	_ =	swait.ge [sflag:s18], $0x2000  }
0x87: {  	[sflag:s18] =	ssyncset.done $0x0  }
0x88: {  	s0 =	rddreg [dreg:$0x8];
	[sflag:s18] =	ssyncadd.s32 $0xFFFFE000  }
0x89: {  	[hbm4b:s0+s2] =	stream.linear.scatter [tilespmem:s9], [sflag:$0x9], $0x2000, $0x38;
	[tilespmem:$0x10400] =	vst v63  }
0x8a: {  	_ =	swait.ge [sflag:s15], $0x2000  }
0x8b: {  	[sflag:s15] =	ssyncset.done $0x0  }
0x8c: {  	s0 =	rddreg [dreg:$0x9];
	[sflag:s15] =	ssyncadd.s32 $0xFFFFE000  }
0x8d: {  	[hbm4b:s0+s2] =	stream.linear.scatter [tilespmem:s8], [sflag:$0x9], $0x2000, $0x38;
	[tilespmem:$0x10400] =	vst v63  }
0x8e: {  	_ =	swait.ge [sflag:s13], $0x2000  }
0x8f: {  	[sflag:s13] =	ssyncset.done $0x0  }
0x90: {  	s0 =	rddreg [dreg:$0xa];
	[sflag:s13] =	ssyncadd.s32 $0xFFFFE000  }
0x91: {  	[hbm4b:s0+s2] =	stream.linear.scatter [tilespmem:s7], [sflag:$0x9], $0x2000, $0x38;
	[tilespmem:$0x10400] =	vst v63  }
0x92: {  	_ =	swait.ge [sflag:s11], $0x2000  }
0x93: {  	[sflag:s11] =	ssyncset.done $0x0  }
0x94: {  	s0 =	rddreg [dreg:$0xb];
	[sflag:s11] =	ssyncadd.s32 $0xFFFFE000  }
0x95: {  	[hbm4b:s0+s2] =	stream.linear.scatter [tilespmem:s6], [sflag:$0x9], $0x2000, $0x38;
	[tilespmem:$0x10400] =	vst v63  }
0x96: {  	_ =	swait.ge [sflag:s3], $0x2000  }
0x97: {  	[sflag:s3] =	ssyncset.done $0x0  }
0x98: {  	[sflag:s3] =	ssyncadd.s32 $0xFFFFE000  }
0x99: {  	_ =	swait.ge [sflag:s3], $0x2000  }
0x9a: {  	[sflag:s3] =	ssyncset.done $0x0  }
0x9b: {  	[sflag:s3] =	ssyncadd.s32 $0xFFFFE000  }
0x9c: {  	_ =	swait.ge [sflag:s3], $0x2000  }
0x9d: {  	[sflag:s3] =	ssyncset.done $0x0  }
0x9e: {  	[sflag:s3] =	ssyncadd.s32 $0xFFFFE000  }
0x9f: {  	_ =	swait.ge [sflag:s3], $0x2000  }
0xa0: {  	[sflag:s3] =	ssyncset.done $0x0  }
0xa1: {  	[sflag:s3] =	ssyncadd.s32 $0xFFFFE000  }
0xa2: {  	_ =	swait.ge [sflag:s3], $0x2000  }
0xa3: {  	[sflag:s3] =	ssyncset.done $0x0  }
0xa4: {  	[sflag:s3] =	ssyncadd.s32 $0xFFFFE000  }
0xa5: {  	_ =	swait.ge [sflag:s3], $0x2000  }
0xa6: {  	[sflag:s3] =	ssyncset.done $0x0  }
0xa7: {  	p1 =	sne.s32 s1, $0x1;
	[sflag:s3] =	ssyncadd.s32 $0xFFFFE000  }
.Ltmp2:
0xa8: {  	_ =	swait.ge [sflag:s3], $0x2000;
	(pc) =	sbr.rel @p1 .LBB2_2-.Ltmp2, $4  }
0xa9: {  	[sflag:s3] =	ssyncset.done $0x0  }
0xaa: {  	[sflag:s3] =	ssyncadd.s32 $0xFFFFE000  }
0xab: {  	_ =	swait.ge [sflag:s3], $0x2000  }
0xac: {  	s1 =	sadd.s32 $0xFFFFFFFF, s1;
	s0 =	rddreg [dreg:$0x4];
	[sflag:s3] =	ssyncset.done $0x0  }
.LBB2_3:
0xad: {  	[sflag:s3] =	ssyncadd.s32 @p0 $0xFFFFE000  }
0xae: {  	[tilespmem:s2], [sflag:$0xA] =	stream.linear.gather [hbm4b:s0+s2], $0x400, $0x38;
	[tilespmem:$0x10400] =	vst v63  }
0xaf: {  	_ =	swait.ge [sflag:s21], $0x400  }
0xb0: {  	[sflag:s21] =	ssyncset.done $0x0  }
0xb1: {  	[sflag:s21] =	ssyncadd.s32 $0xFFFFFC00  }
0xb2: {  	[tilespmem:s16], [sflag:$0x1] =	stream.indirect.gather [hbm4b:s4+s17], $0x80, s2, s17, $0xb8;
	[tilespmem:$0x10400] =	vst v63  }
0xb3: {  	_ = 	snop  }
0xb4: {  	[tilespmem:s14], [sflag:$0x2] =	stream.indirect.gather [hbm4b:s4+s17], $0x80, s22, s17, $0xb8;
	[tilespmem:$0x10400] =	vst v63  }
0xb5: {  	_ = 	snop  }
0xb6: {  	[tilespmem:s12], [sflag:$0x3] =	stream.indirect.gather [hbm4b:s4+s17], $0x80, s23, s17, $0xb8;
	[tilespmem:$0x10400] =	vst v63  }
0xb7: {  	_ = 	snop  }
0xb8: {  	[tilespmem:s10], [sflag:$0x4] =	stream.indirect.gather [hbm4b:s4+s17], $0x80, s25, s17, $0xb8;
	[tilespmem:$0x10400] =	vst v63  }
0xb9: {  	_ = 	snop  }
0xba: {  	[tilespmem:s9], [sflag:$0x5] =	stream.indirect.gather [hbm4b:s4+s17], $0x80, s26, s17, $0xb8;
	[tilespmem:$0x10400] =	vst v63  }
0xbb: {  	_ = 	snop  }
0xbc: {  	[tilespmem:s8], [sflag:$0x6] =	stream.indirect.gather [hbm4b:s4+s17], $0x80, s28, s17, $0xb8;
	[tilespmem:$0x10400] =	vst v63  }
0xbd: {  	_ = 	snop  }
0xbe: {  	[tilespmem:s7], [sflag:$0x7] =	stream.indirect.gather [hbm4b:s4+s17], $0x80, s29, s17, $0xb8;
	[tilespmem:$0x10400] =	vst v63  }
0xbf: {  	_ = 	snop  }
0xc0: {  	[tilespmem:s6], [sflag:$0x8] =	stream.indirect.gather [hbm4b:s4+s17], $0x80, s31, s17, $0xb8;
	[tilespmem:$0x10400] =	vst v63  }
0xc1: {  	_ =	swait.ge [sflag:s30], $0x2000  }
0xc2: {  	[sflag:s30] =	ssyncset.done $0x0  }
0xc3: {  	[sflag:s30] =	ssyncadd.s32 $0xFFFFE000  }
0xc4: {  	[hbm4b:s5+s2] =	stream.linear.scatter [tilespmem:s16], [sflag:$0x9], $0x2000, $0x38;
	[tilespmem:$0x10400] =	vst v63  }
0xc5: {  	_ =	swait.ge [sflag:s24], $0x2000  }
0xc6: {  	[sflag:s24] =	ssyncset.done $0x0  }
0xc7: {  	s23 =	rddreg [dreg:$0x5];
	[sflag:s24] =	ssyncadd.s32 $0xFFFFE000  }
0xc8: {  	[hbm4b:s23+s2] =	stream.linear.scatter [tilespmem:s14], [sflag:$0x9], $0x2000, $0x38;
	[tilespmem:$0x10400] =	vst v63  }
0xc9: {  	_ =	swait.ge [sflag:s20], $0x2000  }
0xca: {  	[sflag:s20] =	ssyncset.done $0x0  }
0xcb: {  	s24 =	rddreg [dreg:$0x6];
	[sflag:s20] =	ssyncadd.s32 $0xFFFFE000  }
0xcc: {  	[hbm4b:s24+s2] =	stream.linear.scatter [tilespmem:s12], [sflag:$0x9], $0x2000, $0x38;
	[tilespmem:$0x10400] =	vst v63  }
0xcd: {  	_ =	swait.ge [sflag:s19], $0x2000  }
0xce: {  	[sflag:s19] =	ssyncset.done $0x0  }
0xcf: {  	s25 =	rddreg [dreg:$0x7];
	[sflag:s19] =	ssyncadd.s32 $0xFFFFE000  }
0xd0: {  	[hbm4b:s25+s2] =	stream.linear.scatter [tilespmem:s10], [sflag:$0x9], $0x2000, $0x38;
	[tilespmem:$0x10400] =	vst v63  }
0xd1: {  	_ =	swait.ge [sflag:s18], $0x2000  }
0xd2: {  	[sflag:s18] =	ssyncset.done $0x0  }
0xd3: {  	s26 =	rddreg [dreg:$0x8];
	[sflag:s18] =	ssyncadd.s32 $0xFFFFE000  }
0xd4: {  	[hbm4b:s26+s2] =	stream.linear.scatter [tilespmem:s9], [sflag:$0x9], $0x2000, $0x38;
	[tilespmem:$0x10400] =	vst v63  }
0xd5: {  	_ =	swait.ge [sflag:s15], $0x2000  }
0xd6: {  	[sflag:s15] =	ssyncset.done $0x0  }
0xd7: {  	s28 =	rddreg [dreg:$0x9];
	[sflag:s15] =	ssyncadd.s32 $0xFFFFE000  }
0xd8: {  	[hbm4b:s28+s2] =	stream.linear.scatter [tilespmem:s8], [sflag:$0x9], $0x2000, $0x38;
	[tilespmem:$0x10400] =	vst v63  }
0xd9: {  	_ =	swait.ge [sflag:s13], $0x2000  }
0xda: {  	[sflag:s13] =	ssyncset.done $0x0  }
0xdb: {  	s29 =	rddreg [dreg:$0xa];
	[sflag:s13] =	ssyncadd.s32 $0xFFFFE000  }
0xdc: {  	[hbm4b:s29+s2] =	stream.linear.scatter [tilespmem:s7], [sflag:$0x9], $0x2000, $0x38;
	[tilespmem:$0x10400] =	vst v63  }
0xdd: {  	_ =	swait.ge [sflag:s11], $0x2000  }
0xde: {  	[sflag:s11] =	ssyncset.done $0x0  }
0xdf: {  	s30 =	rddreg [dreg:$0xb];
	[sflag:s11] =	ssyncadd.s32 $0xFFFFE000  }
0xe0: {  	[hbm4b:s30+s2] =	stream.linear.scatter [tilespmem:s6], [sflag:$0x9], $0x2000, $0x38;
	[tilespmem:$0x10400] =	vst v63  }
0xe1: {  	_ =	swait.ge [sflag:s3], $0x2000  }
0xe2: {  	[sflag:s3] =	ssyncset.done $0x0  }
0xe3: {  	[sflag:s3] =	ssyncadd.s32 $0xFFFFE000  }
0xe4: {  	_ =	swait.ge [sflag:s3], $0x2000  }
0xe5: {  	[sflag:s3] =	ssyncset.done $0x0  }
0xe6: {  	[sflag:s3] =	ssyncadd.s32 $0xFFFFE000  }
0xe7: {  	_ =	swait.ge [sflag:s3], $0x2000  }
0xe8: {  	[sflag:s3] =	ssyncset.done $0x0  }
0xe9: {  	[sflag:s3] =	ssyncadd.s32 $0xFFFFE000  }
0xea: {  	_ =	swait.ge [sflag:s3], $0x2000  }
0xeb: {  	[sflag:s3] =	ssyncset.done $0x0  }
0xec: {  	[sflag:s3] =	ssyncadd.s32 $0xFFFFE000  }
0xed: {  	_ =	swait.ge [sflag:s3], $0x2000  }
0xee: {  	[sflag:s3] =	ssyncset.done $0x0  }
0xef: {  	[sflag:s3] =	ssyncadd.s32 $0xFFFFE000  }
0xf0: {  	_ =	swait.ge [sflag:s3], $0x2000  }
0xf1: {  	[sflag:s3] =	ssyncset.done $0x0  }
0xf2: {  	[sflag:s3] =	ssyncadd.s32 $0xFFFFE000  }
0xf3: {  	_ =	swait.ge [sflag:s3], $0x2000  }
0xf4: {  	[sflag:s3] =	ssyncset.done $0x0  }
0xf5: {  	[sflag:s3] =	ssyncadd.s32 $0xFFFFE000  }
0xf6: {  	_ =	swait.ge [sflag:s3], $0x2000  }
0xf7: {  	[sflag:s3] =	ssyncset.done $0x0  }
0xf8: {  	[sflag:s3] =	ssyncadd.s32 $0xFFFFE000  }
0xf9: {  	_ =	sfence.sel $0x180000  }
0xfa: {  	[bflag:$0x0] =	sbarrier.arrive $0xFFFF  }
0xfb: {  	_ =	strace $0x90000047  }
0xfc: {  	s31 =	stileid.u32;
	[bflag:$0x2] =	sbarrier.arrive $0xFFFF  }
0xfd: {  	p0 =	sne.s32 s31, $0x0;
	s0 =	rddreg [dreg:$0x3]  }
0xfe: {  	s0 =	sadd.s32 @!p0 $0x100000, s0  }
0xff: {  	[sflag:s0] =	ssyncadd.tile.s32 @!p0 $0x1;
	_ =	shalt  }
.Lfunc_end2:
_tile_overlayer_lowered:
.L_overlay_start_2:
0x100: {  	(tag) =	ssettag $0x2  }
0x101: {  	s0 =	rddreg [dreg:$0x0];
	s2 =	stileid.u32  }
0x102: {  	s1 =	rddreg [dreg:$0x1];
	p0 =	sne.s32 s2, $0x0  }
0x103: {  	s3 =	rddreg [dreg:$0x2];
	[bflag:$0x3] =	sbarrier.arrive $0xFFFF;
	s2 =	simm.s32 @!p0 $0x1C0A  }
0x104: {  	[timem:s3], [sflag:s2] =	dma.local @!p0 [hbm:s0], s1  }
0x105: {  	s0 =	simm.s32 @!p0 $0xA  }
0x106: {  	_ =	swait.ge @!p0 [sflag:s0], s1  }
0x107: {  	s1 =	ssub.s32 @!p0 $0x0, s1;
	[sflag:s0] =	ssyncset.done @!p0 $0x0  }
0x108: {  	[sflag:s0] =	ssyncadd.s32 @!p0 s1  }
0x109: {  	[bflag:$0x3] =	sbarrier.arrive $0xFFFF  }
0x10a: {  	_ =	shalt  }

</sc_bundles>
